<compile_context>
chip_gen: v7x
topology: tpu7x:2x2x1
jax: 0.10.2.dev20260603
libtpu: 0.0.44.dev20260713+nightly
codegen_flags: <defaults>
</compile_context>

<pallas_src>
import functools

import jax
import jax.numpy as jnp
from jax import lax
from jax.experimental import pallas as pl
from jax.experimental.pallas import tpu as pltpu
from jax.experimental.pallas import tpu_sc as plsc

_B = 128
_S = 512
_WE = 128
_OE = 512
_NC = 2
_NS = 16
_NW = _NC * _NS
_TOT = _B * _S
_CHUNK = 256

_STAGES = (32, 48, 48)
_BB = 4


def _sc_gather(word_table, ids_flat, tot, tok0):
    rpw = tot // _NW
    nch = rpw // _CHUNK
    mesh = plsc.VectorSubcoreMesh(core_axis_name="c", subcore_axis_name="s")

    @functools.partial(
        pl.kernel,
        out_type=jax.ShapeDtypeStruct((tot, _WE), jnp.float32),
        mesh=mesh,
        scratch_types=[
            pltpu.VMEM((rpw,), jnp.int32),
            pltpu.VMEM((_CHUNK, _WE), jnp.float32),
            pltpu.VMEM((_CHUNK, _WE), jnp.float32),
            pltpu.SemaphoreType.DMA,
            pltpu.SemaphoreType.DMA,
        ],
    )
    def k(table_hbm, idx_hbm, out_hbm, idx_v, buf0, buf1, sem0, sem1):
        wid = lax.axis_index("s") * _NC + lax.axis_index("c")
        base = wid * rpw
        pltpu.sync_copy(idx_hbm.at[pl.ds(tok0 + base, rpw)], idx_v)
        bufs = (buf0, buf1)
        sems = (sem0, sem1)
        copies = [None] * nch
        for ch in range(nch):
            copies[ch] = pltpu.async_copy(
                table_hbm.at[idx_v.at[pl.ds(ch * _CHUNK, _CHUNK)]],
                bufs[ch % 2], sems[ch % 2])
            if ch >= 1:
                copies[ch - 1].wait()
                pltpu.sync_copy(
                    bufs[(ch - 1) % 2],
                    out_hbm.at[pl.ds(base + (ch - 1) * _CHUNK, _CHUNK)])
        copies[nch - 1].wait()
        pltpu.sync_copy(
            bufs[(nch - 1) % 2],
            out_hbm.at[pl.ds(base + (nch - 1) * _CHUNK, _CHUNK)])

    return k(word_table, ids_flat)


def _tc_body(we_ref, tt_ref, k_ref, pos_ref, prm_ref, *rest):
    out_ref = rest[-1]
    we = we_ref[...].reshape(_BB * _S, _WE)
    left = pltpu.roll(we, _BB * _S - 1, 0)
    right = pltpu.roll(we, 1, 0)
    ridx = lax.broadcasted_iota(jnp.int32, (_BB * _S, 1), 0)
    smod = lax.rem(ridx, _S)
    left = jnp.where(smod != _S - 1, left, 0.0)
    right = jnp.where(smod != 0, right, 0.0)
    kk = k_ref[...]
    p = jnp.dot(left, kk[:_WE], preferred_element_type=jnp.float32)
    p = p + jnp.dot(we, kk[_WE:2 * _WE], preferred_element_type=jnp.float32)
    p = p + jnp.dot(right, kk[2 * _WE:], preferred_element_type=jnp.float32)
    prm = prm_ref[...]
    bias = prm[0:1]
    gamma = prm[1:2]
    beta = prm[2:3]
    t0 = prm[3:4]
    dd = prm[4:5] - prm[3:4]
    p = p + bias + t0
    p3 = p.reshape(_BB, _S, _OE)
    pos = pos_ref[...]
    ttT = jnp.transpose(tt_ref[0].astype(jnp.float32))
    for b in range(_BB):
        col = ttT[:, b:b + 1]
        out_ref[b] = (p3[b] + pos + col * dd) * gamma + beta


def _tc_stage(we3, ttf3, proj_kernel, pos_table, prm, prev, b0, nb):
    blk0 = b0 // _BB
    in_specs = [
        pl.BlockSpec((_BB, _S, _WE), lambda i: (i, 0, 0)),
        pl.BlockSpec((1, _BB, _S), lambda i: (i, 0, 0)),
        pl.BlockSpec((3 * _WE, _OE), lambda i: (0, 0)),
        pl.BlockSpec((_S, _OE), lambda i: (0, 0)),
        pl.BlockSpec((8, _OE), lambda i: (0, 0)),
    ]
    args = [we3, ttf3, proj_kernel, pos_table, prm]
    aliases = {}
    if prev is not None:
        in_specs.append(pl.BlockSpec(memory_space=pl.ANY))
        args.append(prev)
        aliases = {5: 0}
    return pl.pallas_call(
        _tc_body,
        grid=(nb // _BB,),
        in_specs=in_specs,
        out_specs=pl.BlockSpec((_BB, _S, _OE), lambda i: (i + blk0, 0, 0)),
        out_shape=jax.ShapeDtypeStruct((_B, _S, _OE), jnp.float32),
        input_output_aliases=aliases,
    )(*args)


def kernel(input_ids, token_type_ids, word_table, proj_kernel, proj_bias,
           pos_table, type_table, norm_gamma, norm_beta):
    ids_flat = input_ids.reshape(_TOT)
    prm = jnp.concatenate(
        [proj_bias[None], norm_gamma[None], norm_beta[None],
         type_table, jnp.zeros((3, _OE), jnp.float32)], axis=0)
    pos = pos_table[:_S]
    offs = [0]
    for nb in _STAGES:
        offs.append(offs[-1] + nb)
    wes = [
        _sc_gather(word_table, ids_flat, nb * _S, b0 * _S)
        for b0, nb in zip(offs, _STAGES)
    ]
    out = None
    for st, (b0, nb) in enumerate(zip(offs, _STAGES)):
        we3 = wes[st].reshape(nb, _S, _WE)
        tt3 = token_type_ids[b0:b0 + nb].reshape(nb // _BB, _BB, _S)
        out = _tc_stage(we3, tt3, proj_kernel, pos, prm, out, b0, nb)
    return out

# --- scband reference (transcript-rebuilt; emitter-appended) ---
"""Pipeline reference for scband-mobile-bert-embedding-3539053052086 (READ-ONLY COPY).

The authoritative reference and input builder live on the scoring server;
editing this copy changes nothing except your own understanding.
"""

import jax, jax.numpy as jnp
import numpy as np

B = 128
S = 512
V = 30522
WE = 128
OE = 512
TV = 2
MAXLEN = 512


def setup_inputs(seed: int = 0) -> dict:
    key = jax.random.key(seed)
    ks = jax.random.split(key, 8)
    return {
        "input_ids": jax.random.randint(ks[0], (B, S), 0, V, dtype=jnp.int32),
        "token_type_ids": jax.random.randint(ks[1], (B, S), 0, TV, dtype=jnp.int32),
        "word_table": jax.random.normal(ks[2], (V, WE), dtype=jnp.float32) * 0.02,
        "proj_kernel": jax.random.normal(ks[3], (3 * WE, OE), dtype=jnp.float32) * 0.02,
        "proj_bias": jnp.zeros((OE,), dtype=jnp.float32),
        "pos_table": jax.random.normal(ks[4], (MAXLEN, OE), dtype=jnp.float32) * 0.02,
        "type_table": jax.random.normal(ks[5], (TV, OE), dtype=jnp.float32) * 0.02,
        "norm_gamma": jnp.ones((OE,), dtype=jnp.float32),
        "norm_beta": jnp.zeros((OE,), dtype=jnp.float32),
    }


def reference(input_ids, token_type_ids, word_table, proj_kernel, proj_bias,
              pos_table, type_table, norm_gamma, norm_beta):
    # Word embedding lookup (SparseCore gather)
    we = jnp.take(word_table, input_ids, axis=0)  # [B, S, WE]
    # Trigram concat: shift-left (pad end), identity, shift-right (pad front)
    left = jnp.pad(we[:, 1:], ((0, 0), (0, 1), (0, 0)))
    right = jnp.pad(we[:, :-1], ((0, 0), (1, 0), (0, 0)))
    cat = jnp.concatenate([left, we, right], axis=2)  # [B, S, 3*WE]
    # Einsum projection abc,cd->abd + bias
    proj = jnp.einsum('abc,cd->abd', cat, proj_kernel) + proj_bias  # [B, S, OE]
    # Position embedding (broadcast over batch)
    seq_len = proj.shape[1]
    pos = pos_table[:seq_len][None, :, :]
    out = proj + pos
    # Token type embedding via one-hot matmul (use_one_hot=True)
    type_onehot = jax.nn.one_hot(token_type_ids, TV, dtype=proj.dtype)  # [B, S, TV]
    out = out + jnp.einsum('bst,td->bsd', type_onehot, type_table)
    # NoNorm: element-wise scale and bias on last dim
    out = out * norm_gamma + norm_beta
    # Dropout is identity at inference
    return out

if __name__ == "__main__":
    import jax
    _d = setup_inputs()
    print(jax.jit(kernel)(*tuple(_d.values())))

</pallas_src>

<mosaic_0001>
#map = affine_map<(d0, d1) -> (0, 0)>
#map1 = affine_map<(d0, d1) -> (0)>
module attributes {stable_mosaic.version = 14 : i64} {
  func.func @k(%arg0: i32, %arg1: i32, %arg2: memref<30522x128xf32, #tpu.memory_space<hbm>>, %arg3: memref<65536xi32, #tpu.memory_space<hbm>>, %arg4: memref<24576x128xf32, #tpu.memory_space<hbm>>, %arg5: memref<768xi32, #tpu.memory_space<vmem>>, %arg6: memref<256x128xf32, #tpu.memory_space<vmem>>, %arg7: memref<256x128xf32, #tpu.memory_space<vmem>>, %arg8: memref<!tpu.dma_semaphore, #tpu.memory_space<semaphore_mem>>, %arg9: memref<!tpu.dma_semaphore, #tpu.memory_space<semaphore_mem>>) attributes {dimension_semantics = [#tpu.dimension_semantics<core_parallel>, #tpu.dimension_semantics<subcore_parallel>], iteration_bounds = array<i64: 2, 16>, scalar_prefetch = 0 : i64, scratch_operands = 5 : i64, tpu.core_type = #tpu.core_type<sc_vector_subcore>, window_params = [{transform_indices = #map}, {transform_indices = #map1}, {transform_indices = #map}]} {
    %mul3A = arith.constant 2 : i32
    %mul3A_0 = arith.muli %arg1, %mul3A : i32
    %add3A = arith.addi %mul3A_0, %arg0 : i32
    %mul3A_1 = arith.constant 768 : i32
    %mul3A_2 = arith.muli %add3A, %mul3A_1 : i32
    %add3A_3 = arith.constant 16384 : i32
    %add3A_4 = arith.addi %add3A_3, %mul3A_2 : i32
    "tpu.region"() ({
      %run_scoped3A = tpu.sem_alloc : memref<!tpu.dma_semaphore, #tpu.memory_space<semaphore_mem>>
      %dma_start3A_39 = tpu.memref_slice %arg3[%add3A_4] : memref<65536xi32, #tpu.memory_space<hbm>> -> memref<768xi32, #tpu.memory_space<hbm>>
      %dma_start3A_40 = tpu.memref_slice %arg3[%add3A_4] : memref<65536xi32, #tpu.memory_space<hbm>> -> memref<768xi32, #tpu.memory_space<hbm>>
      tpu.enqueue_dma source(%dma_start3A_40 : memref<768xi32, #tpu.memory_space<hbm>>) target(%arg5 : memref<768xi32, #tpu.memory_space<vmem>>) target_semaphore(%run_scoped3A : memref<!tpu.dma_semaphore, #tpu.memory_space<semaphore_mem>>)
      %dma_wait3A_41 = tpu.memref_slice %arg3[%add3A_4] : memref<65536xi32, #tpu.memory_space<hbm>> -> memref<768xi32, #tpu.memory_space<hbm>>
      %dma_wait3A_42 = tpu.memref_slice %arg3[%add3A_4] : memref<65536xi32, #tpu.memory_space<hbm>> -> memref<768xi32, #tpu.memory_space<hbm>>
      tpu.wait_dma2 semaphore(%run_scoped3A : memref<!tpu.dma_semaphore, #tpu.memory_space<semaphore_mem>>) src(%dma_wait3A_42 : memref<768xi32, #tpu.memory_space<hbm>>) dst(%arg5 : memref<768xi32, #tpu.memory_space<vmem>>)
      tpu.yield
    }) : () -> ()
    %dma_start3A = arith.constant 0 : i32
    %dma_start3A_5 = tpu.memref_slice %arg5[%dma_start3A] : memref<768xi32, #tpu.memory_space<vmem>> -> memref<256xi32, #tpu.memory_space<vmem>>
    %dma_start3A_6 = arith.constant 0 : i32
    %dma_start3A_7 = arith.constant 0 : i32
    %dma_start3A_8 = tpu.memref_slice %arg2[%dma_start3A_6, %dma_start3A_7] : memref<30522x128xf32, #tpu.memory_space<hbm>> -> memref<30522x128xf32, #tpu.memory_space<hbm>>
    tpu.enqueue_indirect_dma source(%dma_start3A_8 : memref<30522x128xf32, #tpu.memory_space<hbm>>) target(%arg6 : memref<256x128xf32, #tpu.memory_space<vmem>>) offsets(%dma_start3A_5 : memref<256xi32, #tpu.memory_space<vmem>>) semaphore(%arg8 : memref<!tpu.dma_semaphore, #tpu.memory_space<semaphore_mem>>)
    %dma_start3A_9 = arith.constant 256 : i32
    %dma_start3A_10 = tpu.memref_slice %arg5[%dma_start3A_9] : memref<768xi32, #tpu.memory_space<vmem>> -> memref<256xi32, #tpu.memory_space<vmem>>
    %dma_start3A_11 = arith.constant 0 : i32
    %dma_start3A_12 = arith.constant 0 : i32
    %dma_start3A_13 = tpu.memref_slice %arg2[%dma_start3A_11, %dma_start3A_12] : memref<30522x128xf32, #tpu.memory_space<hbm>> -> memref<30522x128xf32, #tpu.memory_space<hbm>>
    tpu.enqueue_indirect_dma source(%dma_start3A_13 : memref<30522x128xf32, #tpu.memory_space<hbm>>) target(%arg7 : memref<256x128xf32, #tpu.memory_space<vmem>>) offsets(%dma_start3A_10 : memref<256xi32, #tpu.memory_space<vmem>>) semaphore(%arg9 : memref<!tpu.dma_semaphore, #tpu.memory_space<semaphore_mem>>)
    %dma_wait3A = arith.constant 0 : i32
    %dma_wait3A_14 = tpu.memref_slice %arg5[%dma_wait3A] : memref<768xi32, #tpu.memory_space<vmem>> -> memref<256xi32, #tpu.memory_space<vmem>>
    %dma_wait3A_15 = arith.constant 0 : i32
    %dma_wait3A_16 = arith.constant 0 : i32
    %dma_wait3A_17 = tpu.memref_slice %arg2[%dma_wait3A_15, %dma_wait3A_16] : memref<30522x128xf32, #tpu.memory_space<hbm>> -> memref<30522x128xf32, #tpu.memory_space<hbm>>
    tpu.wait_indirect_dma semaphore(%arg8 : memref<!tpu.dma_semaphore, #tpu.memory_space<semaphore_mem>>) src(%dma_wait3A_17 : memref<30522x128xf32, #tpu.memory_space<hbm>>) dst(%arg6 : memref<256x128xf32, #tpu.memory_space<vmem>>)
    %add3A_18 = arith.constant 0 : i32
    %add3A_19 = arith.addi %mul3A_2, %add3A_18 : i32
    "tpu.region"() ({
      %run_scoped3A = tpu.sem_alloc : memref<!tpu.dma_semaphore, #tpu.memory_space<semaphore_mem>>
      %dma_start3A_39 = arith.constant 0 : i32
      %dma_start3A_40 = tpu.memref_slice %arg4[%add3A_19, %dma_start3A_39] : memref<24576x128xf32, #tpu.memory_space<hbm>> -> memref<256x128xf32, #tpu.memory_space<hbm>>
      %dma_start3A_41 = arith.constant 0 : i32
      %dma_start3A_42 = tpu.memref_slice %arg4[%add3A_19, %dma_start3A_41] : memref<24576x128xf32, #tpu.memory_space<hbm>> -> memref<256x128xf32, #tpu.memory_space<hbm>>
      tpu.enqueue_dma source(%arg6 : memref<256x128xf32, #tpu.memory_space<vmem>>) target(%dma_start3A_42 : memref<256x128xf32, #tpu.memory_space<hbm>>) target_semaphore(%run_scoped3A : memref<!tpu.dma_semaphore, #tpu.memory_space<semaphore_mem>>)
      %dma_wait3A_43 = arith.constant 0 : i32
      %dma_wait3A_44 = tpu.memref_slice %arg4[%add3A_19, %dma_wait3A_43] : memref<24576x128xf32, #tpu.memory_space<hbm>> -> memref<256x128xf32, #tpu.memory_space<hbm>>
      %dma_wait3A_45 = arith.constant 0 : i32
      %dma_wait3A_46 = tpu.memref_slice %arg4[%add3A_19, %dma_wait3A_45] : memref<24576x128xf32, #tpu.memory_space<hbm>> -> memref<256x128xf32, #tpu.memory_space<hbm>>
      tpu.wait_dma2 semaphore(%run_scoped3A : memref<!tpu.dma_semaphore, #tpu.memory_space<semaphore_mem>>) src(%arg6 : memref<256x128xf32, #tpu.memory_space<vmem>>) dst(%dma_wait3A_46 : memref<256x128xf32, #tpu.memory_space<hbm>>)
      tpu.yield
    }) : () -> ()
    %dma_start3A_20 = arith.constant 512 : i32
    %dma_start3A_21 = tpu.memref_slice %arg5[%dma_start3A_20] : memref<768xi32, #tpu.memory_space<vmem>> -> memref<256xi32, #tpu.memory_space<vmem>>
    %dma_start3A_22 = arith.constant 0 : i32
    %dma_start3A_23 = arith.constant 0 : i32
    %dma_start3A_24 = tpu.memref_slice %arg2[%dma_start3A_22, %dma_start3A_23] : memref<30522x128xf32, #tpu.memory_space<hbm>> -> memref<30522x128xf32, #tpu.memory_space<hbm>>
    tpu.enqueue_indirect_dma source(%dma_start3A_24 : memref<30522x128xf32, #tpu.memory_space<hbm>>) target(%arg6 : memref<256x128xf32, #tpu.memory_space<vmem>>) offsets(%dma_start3A_21 : memref<256xi32, #tpu.memory_space<vmem>>) semaphore(%arg8 : memref<!tpu.dma_semaphore, #tpu.memory_space<semaphore_mem>>)
    %dma_wait3A_25 = arith.constant 256 : i32
    %dma_wait3A_26 = tpu.memref_slice %arg5[%dma_wait3A_25] : memref<768xi32, #tpu.memory_space<vmem>> -> memref<256xi32, #tpu.memory_space<vmem>>
    %dma_wait3A_27 = arith.constant 0 : i32
    %dma_wait3A_28 = arith.constant 0 : i32
    %dma_wait3A_29 = tpu.memref_slice %arg2[%dma_wait3A_27, %dma_wait3A_28] : memref<30522x128xf32, #tpu.memory_space<hbm>> -> memref<30522x128xf32, #tpu.memory_space<hbm>>
    tpu.wait_indirect_dma semaphore(%arg9 : memref<!tpu.dma_semaphore, #tpu.memory_space<semaphore_mem>>) src(%dma_wait3A_29 : memref<30522x128xf32, #tpu.memory_space<hbm>>) dst(%arg7 : memref<256x128xf32, #tpu.memory_space<vmem>>)
    %add3A_30 = arith.constant 256 : i32
    %add3A_31 = arith.addi %mul3A_2, %add3A_30 : i32
    "tpu.region"() ({
      %run_scoped3A = tpu.sem_alloc : memref<!tpu.dma_semaphore, #tpu.memory_space<semaphore_mem>>
      %dma_start3A_39 = arith.constant 0 : i32
      %dma_start3A_40 = tpu.memref_slice %arg4[%add3A_31, %dma_start3A_39] : memref<24576x128xf32, #tpu.memory_space<hbm>> -> memref<256x128xf32, #tpu.memory_space<hbm>>
      %dma_start3A_41 = arith.constant 0 : i32
      %dma_start3A_42 = tpu.memref_slice %arg4[%add3A_31, %dma_start3A_41] : memref<24576x128xf32, #tpu.memory_space<hbm>> -> memref<256x128xf32, #tpu.memory_space<hbm>>
      tpu.enqueue_dma source(%arg7 : memref<256x128xf32, #tpu.memory_space<vmem>>) target(%dma_start3A_42 : memref<256x128xf32, #tpu.memory_space<hbm>>) target_semaphore(%run_scoped3A : memref<!tpu.dma_semaphore, #tpu.memory_space<semaphore_mem>>)
      %dma_wait3A_43 = arith.constant 0 : i32
      %dma_wait3A_44 = tpu.memref_slice %arg4[%add3A_31, %dma_wait3A_43] : memref<24576x128xf32, #tpu.memory_space<hbm>> -> memref<256x128xf32, #tpu.memory_space<hbm>>
      %dma_wait3A_45 = arith.constant 0 : i32
      %dma_wait3A_46 = tpu.memref_slice %arg4[%add3A_31, %dma_wait3A_45] : memref<24576x128xf32, #tpu.memory_space<hbm>> -> memref<256x128xf32, #tpu.memory_space<hbm>>
      tpu.wait_dma2 semaphore(%run_scoped3A : memref<!tpu.dma_semaphore, #tpu.memory_space<semaphore_mem>>) src(%arg7 : memref<256x128xf32, #tpu.memory_space<vmem>>) dst(%dma_wait3A_46 : memref<256x128xf32, #tpu.memory_space<hbm>>)
      tpu.yield
    }) : () -> ()
    %dma_wait3A_32 = arith.constant 512 : i32
    %dma_wait3A_33 = tpu.memref_slice %arg5[%dma_wait3A_32] : memref<768xi32, #tpu.memory_space<vmem>> -> memref<256xi32, #tpu.memory_space<vmem>>
    %dma_wait3A_34 = arith.constant 0 : i32
    %dma_wait3A_35 = arith.constant 0 : i32
    %dma_wait3A_36 = tpu.memref_slice %arg2[%dma_wait3A_34, %dma_wait3A_35] : memref<30522x128xf32, #tpu.memory_space<hbm>> -> memref<30522x128xf32, #tpu.memory_space<hbm>>
    tpu.wait_indirect_dma semaphore(%arg8 : memref<!tpu.dma_semaphore, #tpu.memory_space<semaphore_mem>>) src(%dma_wait3A_36 : memref<30522x128xf32, #tpu.memory_space<hbm>>) dst(%arg6 : memref<256x128xf32, #tpu.memory_space<vmem>>)
    %add3A_37 = arith.constant 512 : i32
    %add3A_38 = arith.addi %mul3A_2, %add3A_37 : i32
    "tpu.region"() ({
      %run_scoped3A = tpu.sem_alloc : memref<!tpu.dma_semaphore, #tpu.memory_space<semaphore_mem>>
      %dma_start3A_39 = arith.constant 0 : i32
      %dma_start3A_40 = tpu.memref_slice %arg4[%add3A_38, %dma_start3A_39] : memref<24576x128xf32, #tpu.memory_space<hbm>> -> memref<256x128xf32, #tpu.memory_space<hbm>>
      %dma_start3A_41 = arith.constant 0 : i32
      %dma_start3A_42 = tpu.memref_slice %arg4[%add3A_38, %dma_start3A_41] : memref<24576x128xf32, #tpu.memory_space<hbm>> -> memref<256x128xf32, #tpu.memory_space<hbm>>
      tpu.enqueue_dma source(%arg6 : memref<256x128xf32, #tpu.memory_space<vmem>>) target(%dma_start3A_42 : memref<256x128xf32, #tpu.memory_space<hbm>>) target_semaphore(%run_scoped3A : memref<!tpu.dma_semaphore, #tpu.memory_space<semaphore_mem>>)
      %dma_wait3A_43 = arith.constant 0 : i32
      %dma_wait3A_44 = tpu.memref_slice %arg4[%add3A_38, %dma_wait3A_43] : memref<24576x128xf32, #tpu.memory_space<hbm>> -> memref<256x128xf32, #tpu.memory_space<hbm>>
      %dma_wait3A_45 = arith.constant 0 : i32
      %dma_wait3A_46 = tpu.memref_slice %arg4[%add3A_38, %dma_wait3A_45] : memref<24576x128xf32, #tpu.memory_space<hbm>> -> memref<256x128xf32, #tpu.memory_space<hbm>>
      tpu.wait_dma2 semaphore(%run_scoped3A : memref<!tpu.dma_semaphore, #tpu.memory_space<semaphore_mem>>) src(%arg6 : memref<256x128xf32, #tpu.memory_space<vmem>>) dst(%dma_wait3A_46 : memref<256x128xf32, #tpu.memory_space<hbm>>)
      tpu.yield
    }) : () -> ()
    return
  }
}

#map = affine_map<(d0, d1) -> (0, 0)>
#map1 = affine_map<(d0, d1) -> (0)>
module attributes {stable_mosaic.version = 14 : i64} {
  func.func @k(%arg0: i32, %arg1: i32, %arg2: memref<30522x128xf32, #tpu.memory_space<hbm>>, %arg3: memref<65536xi32, #tpu.memory_space<hbm>>, %arg4: memref<24576x128xf32, #tpu.memory_space<hbm>>, %arg5: memref<768xi32, #tpu.memory_space<vmem>>, %arg6: memref<256x128xf32, #tpu.memory_space<vmem>>, %arg7: memref<256x128xf32, #tpu.memory_space<vmem>>, %arg8: memref<!tpu.dma_semaphore, #tpu.memory_space<semaphore_mem>>, %arg9: memref<!tpu.dma_semaphore, #tpu.memory_space<semaphore_mem>>) attributes {dimension_semantics = [#tpu.dimension_semantics<core_parallel>, #tpu.dimension_semantics<subcore_parallel>], iteration_bounds = array<i64: 2, 16>, scalar_prefetch = 0 : i64, scratch_operands = 5 : i64, tpu.core_type = #tpu.core_type<sc_vector_subcore>, window_params = [{transform_indices = #map}, {transform_indices = #map1}, {transform_indices = #map}]} {
    %mul3A = arith.constant 2 : i32
    %mul3A_0 = arith.muli %arg1, %mul3A : i32
    %add3A = arith.addi %mul3A_0, %arg0 : i32
    %mul3A_1 = arith.constant 768 : i32
    %mul3A_2 = arith.muli %add3A, %mul3A_1 : i32
    %add3A_3 = arith.constant 40960 : i32
    %add3A_4 = arith.addi %add3A_3, %mul3A_2 : i32
    "tpu.region"() ({
      %run_scoped3A = tpu.sem_alloc : memref<!tpu.dma_semaphore, #tpu.memory_space<semaphore_mem>>
      %dma_start3A_39 = tpu.memref_slice %arg3[%add3A_4] : memref<65536xi32, #tpu.memory_space<hbm>> -> memref<768xi32, #tpu.memory_space<hbm>>
      %dma_start3A_40 = tpu.memref_slice %arg3[%add3A_4] : memref<65536xi32, #tpu.memory_space<hbm>> -> memref<768xi32, #tpu.memory_space<hbm>>
      tpu.enqueue_dma source(%dma_start3A_40 : memref<768xi32, #tpu.memory_space<hbm>>) target(%arg5 : memref<768xi32, #tpu.memory_space<vmem>>) target_semaphore(%run_scoped3A : memref<!tpu.dma_semaphore, #tpu.memory_space<semaphore_mem>>)
      %dma_wait3A_41 = tpu.memref_slice %arg3[%add3A_4] : memref<65536xi32, #tpu.memory_space<hbm>> -> memref<768xi32, #tpu.memory_space<hbm>>
      %dma_wait3A_42 = tpu.memref_slice %arg3[%add3A_4] : memref<65536xi32, #tpu.memory_space<hbm>> -> memref<768xi32, #tpu.memory_space<hbm>>
      tpu.wait_dma2 semaphore(%run_scoped3A : memref<!tpu.dma_semaphore, #tpu.memory_space<semaphore_mem>>) src(%dma_wait3A_42 : memref<768xi32, #tpu.memory_space<hbm>>) dst(%arg5 : memref<768xi32, #tpu.memory_space<vmem>>)
      tpu.yield
    }) : () -> ()
    %dma_start3A = arith.constant 0 : i32
    %dma_start3A_5 = tpu.memref_slice %arg5[%dma_start3A] : memref<768xi32, #tpu.memory_space<vmem>> -> memref<256xi32, #tpu.memory_space<vmem>>
    %dma_start3A_6 = arith.constant 0 : i32
    %dma_start3A_7 = arith.constant 0 : i32
    %dma_start3A_8 = tpu.memref_slice %arg2[%dma_start3A_6, %dma_start3A_7] : memref<30522x128xf32, #tpu.memory_space<hbm>> -> memref<30522x128xf32, #tpu.memory_space<hbm>>
    tpu.enqueue_indirect_dma source(%dma_start3A_8 : memref<30522x128xf32, #tpu.memory_space<hbm>>) target(%arg6 : memref<256x128xf32, #tpu.memory_space<vmem>>) offsets(%dma_start3A_5 : memref<256xi32, #tpu.memory_space<vmem>>) semaphore(%arg8 : memref<!tpu.dma_semaphore, #tpu.memory_space<semaphore_mem>>)
    %dma_start3A_9 = arith.constant 256 : i32
    %dma_start3A_10 = tpu.memref_slice %arg5[%dma_start3A_9] : memref<768xi32, #tpu.memory_space<vmem>> -> memref<256xi32, #tpu.memory_space<vmem>>
    %dma_start3A_11 = arith.constant 0 : i32
    %dma_start3A_12 = arith.constant 0 : i32
    %dma_start3A_13 = tpu.memref_slice %arg2[%dma_start3A_11, %dma_start3A_12] : memref<30522x128xf32, #tpu.memory_space<hbm>> -> memref<30522x128xf32, #tpu.memory_space<hbm>>
    tpu.enqueue_indirect_dma source(%dma_start3A_13 : memref<30522x128xf32, #tpu.memory_space<hbm>>) target(%arg7 : memref<256x128xf32, #tpu.memory_space<vmem>>) offsets(%dma_start3A_10 : memref<256xi32, #tpu.memory_space<vmem>>) semaphore(%arg9 : memref<!tpu.dma_semaphore, #tpu.memory_space<semaphore_mem>>)
    %dma_wait3A = arith.constant 0 : i32
    %dma_wait3A_14 = tpu.memref_slice %arg5[%dma_wait3A] : memref<768xi32, #tpu.memory_space<vmem>> -> memref<256xi32, #tpu.memory_space<vmem>>
    %dma_wait3A_15 = arith.constant 0 : i32
    %dma_wait3A_16 = arith.constant 0 : i32
    %dma_wait3A_17 = tpu.memref_slice %arg2[%dma_wait3A_15, %dma_wait3A_16] : memref<30522x128xf32, #tpu.memory_space<hbm>> -> memref<30522x128xf32, #tpu.memory_space<hbm>>
    tpu.wait_indirect_dma semaphore(%arg8 : memref<!tpu.dma_semaphore, #tpu.memory_space<semaphore_mem>>) src(%dma_wait3A_17 : memref<30522x128xf32, #tpu.memory_space<hbm>>) dst(%arg6 : memref<256x128xf32, #tpu.memory_space<vmem>>)
    %add3A_18 = arith.constant 0 : i32
    %add3A_19 = arith.addi %mul3A_2, %add3A_18 : i32
    "tpu.region"() ({
      %run_scoped3A = tpu.sem_alloc : memref<!tpu.dma_semaphore, #tpu.memory_space<semaphore_mem>>
      %dma_start3A_39 = arith.constant 0 : i32
      %dma_start3A_40 = tpu.memref_slice %arg4[%add3A_19, %dma_start3A_39] : memref<24576x128xf32, #tpu.memory_space<hbm>> -> memref<256x128xf32, #tpu.memory_space<hbm>>
      %dma_start3A_41 = arith.constant 0 : i32
      %dma_start3A_42 = tpu.memref_slice %arg4[%add3A_19, %dma_start3A_41] : memref<24576x128xf32, #tpu.memory_space<hbm>> -> memref<256x128xf32, #tpu.memory_space<hbm>>
      tpu.enqueue_dma source(%arg6 : memref<256x128xf32, #tpu.memory_space<vmem>>) target(%dma_start3A_42 : memref<256x128xf32, #tpu.memory_space<hbm>>) target_semaphore(%run_scoped3A : memref<!tpu.dma_semaphore, #tpu.memory_space<semaphore_mem>>)
      %dma_wait3A_43 = arith.constant 0 : i32
      %dma_wait3A_44 = tpu.memref_slice %arg4[%add3A_19, %dma_wait3A_43] : memref<24576x128xf32, #tpu.memory_space<hbm>> -> memref<256x128xf32, #tpu.memory_space<hbm>>
      %dma_wait3A_45 = arith.constant 0 : i32
      %dma_wait3A_46 = tpu.memref_slice %arg4[%add3A_19, %dma_wait3A_45] : memref<24576x128xf32, #tpu.memory_space<hbm>> -> memref<256x128xf32, #tpu.memory_space<hbm>>
      tpu.wait_dma2 semaphore(%run_scoped3A : memref<!tpu.dma_semaphore, #tpu.memory_space<semaphore_mem>>) src(%arg6 : memref<256x128xf32, #tpu.memory_space<vmem>>) dst(%dma_wait3A_46 : memref<256x128xf32, #tpu.memory_space<hbm>>)
      tpu.yield
    }) : () -> ()
    %dma_start3A_20 = arith.constant 512 : i32
    %dma_start3A_21 = tpu.memref_slice %arg5[%dma_start3A_20] : memref<768xi32, #tpu.memory_space<vmem>> -> memref<256xi32, #tpu.memory_space<vmem>>
    %dma_start3A_22 = arith.constant 0 : i32
    %dma_start3A_23 = arith.constant 0 : i32
    %dma_start3A_24 = tpu.memref_slice %arg2[%dma_start3A_22, %dma_start3A_23] : memref<30522x128xf32, #tpu.memory_space<hbm>> -> memref<30522x128xf32, #tpu.memory_space<hbm>>
    tpu.enqueue_indirect_dma source(%dma_start3A_24 : memref<30522x128xf32, #tpu.memory_space<hbm>>) target(%arg6 : memref<256x128xf32, #tpu.memory_space<vmem>>) offsets(%dma_start3A_21 : memref<256xi32, #tpu.memory_space<vmem>>) semaphore(%arg8 : memref<!tpu.dma_semaphore, #tpu.memory_space<semaphore_mem>>)
    %dma_wait3A_25 = arith.constant 256 : i32
    %dma_wait3A_26 = tpu.memref_slice %arg5[%dma_wait3A_25] : memref<768xi32, #tpu.memory_space<vmem>> -> memref<256xi32, #tpu.memory_space<vmem>>
    %dma_wait3A_27 = arith.constant 0 : i32
    %dma_wait3A_28 = arith.constant 0 : i32
    %dma_wait3A_29 = tpu.memref_slice %arg2[%dma_wait3A_27, %dma_wait3A_28] : memref<30522x128xf32, #tpu.memory_space<hbm>> -> memref<30522x128xf32, #tpu.memory_space<hbm>>
    tpu.wait_indirect_dma semaphore(%arg9 : memref<!tpu.dma_semaphore, #tpu.memory_space<semaphore_mem>>) src(%dma_wait3A_29 : memref<30522x128xf32, #tpu.memory_space<hbm>>) dst(%arg7 : memref<256x128xf32, #tpu.memory_space<vmem>>)
    %add3A_30 = arith.constant 256 : i32
    %add3A_31 = arith.addi %mul3A_2, %add3A_30 : i32
    "tpu.region"() ({
      %run_scoped3A = tpu.sem_alloc : memref<!tpu.dma_semaphore, #tpu.memory_space<semaphore_mem>>
      %dma_start3A_39 = arith.constant 0 : i32
      %dma_start3A_40 = tpu.memref_slice %arg4[%add3A_31, %dma_start3A_39] : memref<24576x128xf32, #tpu.memory_space<hbm>> -> memref<256x128xf32, #tpu.memory_space<hbm>>
      %dma_start3A_41 = arith.constant 0 : i32
      %dma_start3A_42 = tpu.memref_slice %arg4[%add3A_31, %dma_start3A_41] : memref<24576x128xf32, #tpu.memory_space<hbm>> -> memref<256x128xf32, #tpu.memory_space<hbm>>
      tpu.enqueue_dma source(%arg7 : memref<256x128xf32, #tpu.memory_space<vmem>>) target(%dma_start3A_42 : memref<256x128xf32, #tpu.memory_space<hbm>>) target_semaphore(%run_scoped3A : memref<!tpu.dma_semaphore, #tpu.memory_space<semaphore_mem>>)
      %dma_wait3A_43 = arith.constant 0 : i32
      %dma_wait3A_44 = tpu.memref_slice %arg4[%add3A_31, %dma_wait3A_43] : memref<24576x128xf32, #tpu.memory_space<hbm>> -> memref<256x128xf32, #tpu.memory_space<hbm>>
      %dma_wait3A_45 = arith.constant 0 : i32
      %dma_wait3A_46 = tpu.memref_slice %arg4[%add3A_31, %dma_wait3A_45] : memref<24576x128xf32, #tpu.memory_space<hbm>> -> memref<256x128xf32, #tpu.memory_space<hbm>>
      tpu.wait_dma2 semaphore(%run_scoped3A : memref<!tpu.dma_semaphore, #tpu.memory_space<semaphore_mem>>) src(%arg7 : memref<256x128xf32, #tpu.memory_space<vmem>>) dst(%dma_wait3A_46 : memref<256x128xf32, #tpu.memory_space<hbm>>)
      tpu.yield
    }) : () -> ()
    %dma_wait3A_32 = arith.constant 512 : i32
    %dma_wait3A_33 = tpu.memref_slice %arg5[%dma_wait3A_32] : memref<768xi32, #tpu.memory_space<vmem>> -> memref<256xi32, #tpu.memory_space<vmem>>
    %dma_wait3A_34 = arith.constant 0 : i32
    %dma_wait3A_35 = arith.constant 0 : i32
    %dma_wait3A_36 = tpu.memref_slice %arg2[%dma_wait3A_34, %dma_wait3A_35] : memref<30522x128xf32, #tpu.memory_space<hbm>> -> memref<30522x128xf32, #tpu.memory_space<hbm>>
    tpu.wait_indirect_dma semaphore(%arg8 : memref<!tpu.dma_semaphore, #tpu.memory_space<semaphore_mem>>) src(%dma_wait3A_36 : memref<30522x128xf32, #tpu.memory_space<hbm>>) dst(%arg6 : memref<256x128xf32, #tpu.memory_space<vmem>>)
    %add3A_37 = arith.constant 512 : i32
    %add3A_38 = arith.addi %mul3A_2, %add3A_37 : i32
    "tpu.region"() ({
      %run_scoped3A = tpu.sem_alloc : memref<!tpu.dma_semaphore, #tpu.memory_space<semaphore_mem>>
      %dma_start3A_39 = arith.constant 0 : i32
      %dma_start3A_40 = tpu.memref_slice %arg4[%add3A_38, %dma_start3A_39] : memref<24576x128xf32, #tpu.memory_space<hbm>> -> memref<256x128xf32, #tpu.memory_space<hbm>>
      %dma_start3A_41 = arith.constant 0 : i32
      %dma_start3A_42 = tpu.memref_slice %arg4[%add3A_38, %dma_start3A_41] : memref<24576x128xf32, #tpu.memory_space<hbm>> -> memref<256x128xf32, #tpu.memory_space<hbm>>
      tpu.enqueue_dma source(%arg6 : memref<256x128xf32, #tpu.memory_space<vmem>>) target(%dma_start3A_42 : memref<256x128xf32, #tpu.memory_space<hbm>>) target_semaphore(%run_scoped3A : memref<!tpu.dma_semaphore, #tpu.memory_space<semaphore_mem>>)
      %dma_wait3A_43 = arith.constant 0 : i32
      %dma_wait3A_44 = tpu.memref_slice %arg4[%add3A_38, %dma_wait3A_43] : memref<24576x128xf32, #tpu.memory_space<hbm>> -> memref<256x128xf32, #tpu.memory_space<hbm>>
      %dma_wait3A_45 = arith.constant 0 : i32
      %dma_wait3A_46 = tpu.memref_slice %arg4[%add3A_38, %dma_wait3A_45] : memref<24576x128xf32, #tpu.memory_space<hbm>> -> memref<256x128xf32, #tpu.memory_space<hbm>>
      tpu.wait_dma2 semaphore(%run_scoped3A : memref<!tpu.dma_semaphore, #tpu.memory_space<semaphore_mem>>) src(%arg6 : memref<256x128xf32, #tpu.memory_space<vmem>>) dst(%dma_wait3A_46 : memref<256x128xf32, #tpu.memory_space<hbm>>)
      tpu.yield
    }) : () -> ()
    return
  }
}

#map = affine_map<(d0, d1) -> (0, 0)>
#map1 = affine_map<(d0, d1) -> (0)>
module attributes {stable_mosaic.version = 14 : i64} {
  func.func @k(%arg0: i32, %arg1: i32, %arg2: memref<30522x128xf32, #tpu.memory_space<hbm>>, %arg3: memref<65536xi32, #tpu.memory_space<hbm>>, %arg4: memref<16384x128xf32, #tpu.memory_space<hbm>>, %arg5: memref<512xi32, #tpu.memory_space<vmem>>, %arg6: memref<256x128xf32, #tpu.memory_space<vmem>>, %arg7: memref<256x128xf32, #tpu.memory_space<vmem>>, %arg8: memref<!tpu.dma_semaphore, #tpu.memory_space<semaphore_mem>>, %arg9: memref<!tpu.dma_semaphore, #tpu.memory_space<semaphore_mem>>) attributes {dimension_semantics = [#tpu.dimension_semantics<core_parallel>, #tpu.dimension_semantics<subcore_parallel>], iteration_bounds = array<i64: 2, 16>, scalar_prefetch = 0 : i64, scratch_operands = 5 : i64, tpu.core_type = #tpu.core_type<sc_vector_subcore>, window_params = [{transform_indices = #map}, {transform_indices = #map1}, {transform_indices = #map}]} {
    %mul3A = arith.constant 2 : i32
    %mul3A_0 = arith.muli %arg1, %mul3A : i32
    %add3A = arith.addi %mul3A_0, %arg0 : i32
    %mul3A_1 = arith.constant 512 : i32
    %mul3A_2 = arith.muli %add3A, %mul3A_1 : i32
    %add3A_3 = arith.constant 0 : i32
    %add3A_4 = arith.addi %add3A_3, %mul3A_2 : i32
    "tpu.region"() ({
      %run_scoped3A = tpu.sem_alloc : memref<!tpu.dma_semaphore, #tpu.memory_space<semaphore_mem>>
      %dma_start3A_27 = tpu.memref_slice %arg3[%add3A_4] : memref<65536xi32, #tpu.memory_space<hbm>> -> memref<512xi32, #tpu.memory_space<hbm>>
      %dma_start3A_28 = tpu.memref_slice %arg3[%add3A_4] : memref<65536xi32, #tpu.memory_space<hbm>> -> memref<512xi32, #tpu.memory_space<hbm>>
      tpu.enqueue_dma source(%dma_start3A_28 : memref<512xi32, #tpu.memory_space<hbm>>) target(%arg5 : memref<512xi32, #tpu.memory_space<vmem>>) target_semaphore(%run_scoped3A : memref<!tpu.dma_semaphore, #tpu.memory_space<semaphore_mem>>)
      %dma_wait3A_29 = tpu.memref_slice %arg3[%add3A_4] : memref<65536xi32, #tpu.memory_space<hbm>> -> memref<512xi32, #tpu.memory_space<hbm>>
      %dma_wait3A_30 = tpu.memref_slice %arg3[%add3A_4] : memref<65536xi32, #tpu.memory_space<hbm>> -> memref<512xi32, #tpu.memory_space<hbm>>
      tpu.wait_dma2 semaphore(%run_scoped3A : memref<!tpu.dma_semaphore, #tpu.memory_space<semaphore_mem>>) src(%dma_wait3A_30 : memref<512xi32, #tpu.memory_space<hbm>>) dst(%arg5 : memref<512xi32, #tpu.memory_space<vmem>>)
      tpu.yield
    }) : () -> ()
    %dma_start3A = arith.constant 0 : i32
    %dma_start3A_5 = tpu.memref_slice %arg5[%dma_start3A] : memref<512xi32, #tpu.memory_space<vmem>> -> memref<256xi32, #tpu.memory_space<vmem>>
    %dma_start3A_6 = arith.constant 0 : i32
    %dma_start3A_7 = arith.constant 0 : i32
    %dma_start3A_8 = tpu.memref_slice %arg2[%dma_start3A_6, %dma_start3A_7] : memref<30522x128xf32, #tpu.memory_space<hbm>> -> memref<30522x128xf32, #tpu.memory_space<hbm>>
    tpu.enqueue_indirect_dma source(%dma_start3A_8 : memref<30522x128xf32, #tpu.memory_space<hbm>>) target(%arg6 : memref<256x128xf32, #tpu.memory_space<vmem>>) offsets(%dma_start3A_5 : memref<256xi32, #tpu.memory_space<vmem>>) semaphore(%arg8 : memref<!tpu.dma_semaphore, #tpu.memory_space<semaphore_mem>>)
    %dma_start3A_9 = arith.constant 256 : i32
    %dma_start3A_10 = tpu.memref_slice %arg5[%dma_start3A_9] : memref<512xi32, #tpu.memory_space<vmem>> -> memref<256xi32, #tpu.memory_space<vmem>>
    %dma_start3A_11 = arith.constant 0 : i32
    %dma_start3A_12 = arith.constant 0 : i32
    %dma_start3A_13 = tpu.memref_slice %arg2[%dma_start3A_11, %dma_start3A_12] : memref<30522x128xf32, #tpu.memory_space<hbm>> -> memref<30522x128xf32, #tpu.memory_space<hbm>>
    tpu.enqueue_indirect_dma source(%dma_start3A_13 : memref<30522x128xf32, #tpu.memory_space<hbm>>) target(%arg7 : memref<256x128xf32, #tpu.memory_space<vmem>>) offsets(%dma_start3A_10 : memref<256xi32, #tpu.memory_space<vmem>>) semaphore(%arg9 : memref<!tpu.dma_semaphore, #tpu.memory_space<semaphore_mem>>)
    %dma_wait3A = arith.constant 0 : i32
    %dma_wait3A_14 = tpu.memref_slice %arg5[%dma_wait3A] : memref<512xi32, #tpu.memory_space<vmem>> -> memref<256xi32, #tpu.memory_space<vmem>>
    %dma_wait3A_15 = arith.constant 0 : i32
    %dma_wait3A_16 = arith.constant 0 : i32
    %dma_wait3A_17 = tpu.memref_slice %arg2[%dma_wait3A_15, %dma_wait3A_16] : memref<30522x128xf32, #tpu.memory_space<hbm>> -> memref<30522x128xf32, #tpu.memory_space<hbm>>
    tpu.wait_indirect_dma semaphore(%arg8 : memref<!tpu.dma_semaphore, #tpu.memory_space<semaphore_mem>>) src(%dma_wait3A_17 : memref<30522x128xf32, #tpu.memory_space<hbm>>) dst(%arg6 : memref<256x128xf32, #tpu.memory_space<vmem>>)
    %add3A_18 = arith.constant 0 : i32
    %add3A_19 = arith.addi %mul3A_2, %add3A_18 : i32
    "tpu.region"() ({
      %run_scoped3A = tpu.sem_alloc : memref<!tpu.dma_semaphore, #tpu.memory_space<semaphore_mem>>
      %dma_start3A_27 = arith.constant 0 : i32
      %dma_start3A_28 = tpu.memref_slice %arg4[%add3A_19, %dma_start3A_27] : memref<16384x128xf32, #tpu.memory_space<hbm>> -> memref<256x128xf32, #tpu.memory_space<hbm>>
      %dma_start3A_29 = arith.constant 0 : i32
      %dma_start3A_30 = tpu.memref_slice %arg4[%add3A_19, %dma_start3A_29] : memref<16384x128xf32, #tpu.memory_space<hbm>> -> memref<256x128xf32, #tpu.memory_space<hbm>>
      tpu.enqueue_dma source(%arg6 : memref<256x128xf32, #tpu.memory_space<vmem>>) target(%dma_start3A_30 : memref<256x128xf32, #tpu.memory_space<hbm>>) target_semaphore(%run_scoped3A : memref<!tpu.dma_semaphore, #tpu.memory_space<semaphore_mem>>)
      %dma_wait3A_31 = arith.constant 0 : i32
      %dma_wait3A_32 = tpu.memref_slice %arg4[%add3A_19, %dma_wait3A_31] : memref<16384x128xf32, #tpu.memory_space<hbm>> -> memref<256x128xf32, #tpu.memory_space<hbm>>
      %dma_wait3A_33 = arith.constant 0 : i32
      %dma_wait3A_34 = tpu.memref_slice %arg4[%add3A_19, %dma_wait3A_33] : memref<16384x128xf32, #tpu.memory_space<hbm>> -> memref<256x128xf32, #tpu.memory_space<hbm>>
      tpu.wait_dma2 semaphore(%run_scoped3A : memref<!tpu.dma_semaphore, #tpu.memory_space<semaphore_mem>>) src(%arg6 : memref<256x128xf32, #tpu.memory_space<vmem>>) dst(%dma_wait3A_34 : memref<256x128xf32, #tpu.memory_space<hbm>>)
      tpu.yield
    }) : () -> ()
    %dma_wait3A_20 = arith.constant 256 : i32
    %dma_wait3A_21 = tpu.memref_slice %arg5[%dma_wait3A_20] : memref<512xi32, #tpu.memory_space<vmem>> -> memref<256xi32, #tpu.memory_space<vmem>>
    %dma_wait3A_22 = arith.constant 0 : i32
    %dma_wait3A_23 = arith.constant 0 : i32
    %dma_wait3A_24 = tpu.memref_slice %arg2[%dma_wait3A_22, %dma_wait3A_23] : memref<30522x128xf32, #tpu.memory_space<hbm>> -> memref<30522x128xf32, #tpu.memory_space<hbm>>
    tpu.wait_indirect_dma semaphore(%arg9 : memref<!tpu.dma_semaphore, #tpu.memory_space<semaphore_mem>>) src(%dma_wait3A_24 : memref<30522x128xf32, #tpu.memory_space<hbm>>) dst(%arg7 : memref<256x128xf32, #tpu.memory_space<vmem>>)
    %add3A_25 = arith.constant 256 : i32
    %add3A_26 = arith.addi %mul3A_2, %add3A_25 : i32
    "tpu.region"() ({
      %run_scoped3A = tpu.sem_alloc : memref<!tpu.dma_semaphore, #tpu.memory_space<semaphore_mem>>
      %dma_start3A_27 = arith.constant 0 : i32
      %dma_start3A_28 = tpu.memref_slice %arg4[%add3A_26, %dma_start3A_27] : memref<16384x128xf32, #tpu.memory_space<hbm>> -> memref<256x128xf32, #tpu.memory_space<hbm>>
      %dma_start3A_29 = arith.constant 0 : i32
      %dma_start3A_30 = tpu.memref_slice %arg4[%add3A_26, %dma_start3A_29] : memref<16384x128xf32, #tpu.memory_space<hbm>> -> memref<256x128xf32, #tpu.memory_space<hbm>>
      tpu.enqueue_dma source(%arg7 : memref<256x128xf32, #tpu.memory_space<vmem>>) target(%dma_start3A_30 : memref<256x128xf32, #tpu.memory_space<hbm>>) target_semaphore(%run_scoped3A : memref<!tpu.dma_semaphore, #tpu.memory_space<semaphore_mem>>)
      %dma_wait3A_31 = arith.constant 0 : i32
      %dma_wait3A_32 = tpu.memref_slice %arg4[%add3A_26, %dma_wait3A_31] : memref<16384x128xf32, #tpu.memory_space<hbm>> -> memref<256x128xf32, #tpu.memory_space<hbm>>
      %dma_wait3A_33 = arith.constant 0 : i32
      %dma_wait3A_34 = tpu.memref_slice %arg4[%add3A_26, %dma_wait3A_33] : memref<16384x128xf32, #tpu.memory_space<hbm>> -> memref<256x128xf32, #tpu.memory_space<hbm>>
      tpu.wait_dma2 semaphore(%run_scoped3A : memref<!tpu.dma_semaphore, #tpu.memory_space<semaphore_mem>>) src(%arg7 : memref<256x128xf32, #tpu.memory_space<vmem>>) dst(%dma_wait3A_34 : memref<256x128xf32, #tpu.memory_space<hbm>>)
      tpu.yield
    }) : () -> ()
    return
  }
}

module attributes {stable_mosaic.version = 14 : i64} {
  func.func @_tc_body(%arg0: i32, %arg1: memref<4x512x128xf32, #tpu.memory_space<vmem>>, %arg2: memref<1x4x512xi32, #tpu.memory_space<vmem>>, %arg3: memref<384x512xf32, #tpu.memory_space<vmem>>, %arg4: memref<512x512xf32, #tpu.memory_space<vmem>>, %arg5: memref<8x512xf32, #tpu.memory_space<vmem>>, %arg6: memref<128x512x512xf32, #tpu.memory_space<any>>, %arg7: memref<4x512x512xf32, #tpu.memory_space<vmem>>) attributes {dimension_semantics = [#tpu.dimension_semantics<arbitrary>], iteration_bounds = array<i64: 12>, scalar_prefetch = 0 : i64, scratch_operands = 0 : i64, tpu.core_type = #tpu.core_type<tc>, window_params = [{transform_indices = @transform_0, window_bounds = array<i64: 4, 512, 128>}, {transform_indices = @transform_1, window_bounds = array<i64: 1, 4, 512>}, {pipeline_mode = #tpu.pipeline_mode<synchronous>, transform_indices = @transform_2, window_bounds = array<i64: 384, 512>}, {pipeline_mode = #tpu.pipeline_mode<synchronous>, transform_indices = @transform_3, window_bounds = array<i64: 512, 512>}, {pipeline_mode = #tpu.pipeline_mode<synchronous>, transform_indices = @transform_4, window_bounds = array<i64: 8, 512>}, {}, {transform_indices = @transform_6, window_bounds = array<i64: 4, 512, 512>}]} {
    %get3A = arith.constant 0 : index
    %get3A_0 = arith.constant 0 : index
    %get3A_1 = arith.constant 0 : index
    %get3A_2 = vector.load %arg1[%get3A, %get3A_0, %get3A_1] : memref<4x512x128xf32, #tpu.memory_space<vmem>>, vector<4x512x128xf32>
    %reshape3A = vector.shape_cast %get3A_2 : vector<4x512x128xf32> to vector<2048x128xf32>
    %roll3A = arith.constant 2047 : i32
    %roll3A_3 = tpu.dynamic_rotate %reshape3A by %roll3A dim 0 : vector<2048x128xf32>, i32 -> vector<2048x128xf32>
    %roll3A_4 = arith.constant 1 : i32
    %roll3A_5 = tpu.dynamic_rotate %reshape3A by %roll3A_4 dim 0 : vector<2048x128xf32>, i32 -> vector<2048x128xf32>
    %iota3A = tpu.iota {dimensions = array<i32: 0>} : vector<2048x1xi32>
    %rem3A = arith.constant 512 : i32
    %rem3A_6 = vector.broadcast %rem3A : i32 to vector<2048x1xi32>
    %rem3A_7 = arith.remsi %iota3A, %rem3A_6 : vector<2048x1xi32>
    %ne3A = arith.constant 511 : i32
    %ne3A_8 = vector.broadcast %ne3A : i32 to vector<2048x1xi32>
    %ne3A_9 = arith.cmpi ne, %rem3A_7, %ne3A_8 : vector<2048x1xi32>
    %jit3A = arith.constant 0.000000e+00 : f32
    %broadcast_in_dim3A = vector.shape_cast %ne3A_9 : vector<2048x1xi1> to vector<2048x1xi1>
    %broadcast_in_dim3A_10 = vector.broadcast %broadcast_in_dim3A : vector<2048x1xi1> to vector<2048x128xi1>
    %broadcast_in_dim3A_11 = vector.broadcast %jit3A : f32 to vector<2048x128xf32>
    %select_n3A = arith.select %broadcast_in_dim3A_10, %roll3A_3, %broadcast_in_dim3A_11 : vector<2048x128xi1>, vector<2048x128xf32>
    %ne3A_12 = arith.constant 0 : i32
    %ne3A_13 = vector.broadcast %ne3A_12 : i32 to vector<2048x1xi32>
    %ne3A_14 = arith.cmpi ne, %rem3A_7, %ne3A_13 : vector<2048x1xi32>
    %jit3A_15 = arith.constant 0.000000e+00 : f32
    %broadcast_in_dim3A_16 = vector.shape_cast %ne3A_14 : vector<2048x1xi1> to vector<2048x1xi1>
    %broadcast_in_dim3A_17 = vector.broadcast %broadcast_in_dim3A_16 : vector<2048x1xi1> to vector<2048x128xi1>
    %broadcast_in_dim3A_18 = vector.broadcast %jit3A_15 : f32 to vector<2048x128xf32>
    %select_n3A_19 = arith.select %broadcast_in_dim3A_17, %roll3A_5, %broadcast_in_dim3A_18 : vector<2048x128xi1>, vector<2048x128xf32>
    %get3A_20 = arith.constant 0 : index
    %get3A_21 = arith.constant 0 : index
    %get3A_22 = vector.load %arg3[%get3A_20, %get3A_21] : memref<384x512xf32, #tpu.memory_space<vmem>>, vector<384x512xf32>
    %slice3A = vector.extract_strided_slice %get3A_22 {offsets = [0, 0], sizes = [128, 512], strides = [1, 1]} : vector<384x512xf32> to vector<128x512xf32>
    %dot_general3A = arith.constant dense<0.000000e+00> : vector<2048x512xf32>
    %dot_general3A_23 = tpu.matmul %select_n3A, %slice3A, %dot_general3A {dimension_numbers = #tpu.dot_dimension_numbers<[1], [0], [0], [1], [0, 0, 1, 1], [], []>, transpose_lhs_hint = false} : vector<2048x128xf32>, vector<128x512xf32>, vector<2048x512xf32> -> vector<2048x512xf32>
    %slice3A_24 = vector.extract_strided_slice %get3A_22 {offsets = [128, 0], sizes = [128, 512], strides = [1, 1]} : vector<384x512xf32> to vector<128x512xf32>
    %dot_general3A_25 = arith.constant dense<0.000000e+00> : vector<2048x512xf32>
    %dot_general3A_26 = tpu.matmul %reshape3A, %slice3A_24, %dot_general3A_25 {dimension_numbers = #tpu.dot_dimension_numbers<[1], [0], [0], [1], [0, 0, 1, 1], [], []>, transpose_lhs_hint = false} : vector<2048x128xf32>, vector<128x512xf32>, vector<2048x512xf32> -> vector<2048x512xf32>
    %add3A = arith.addf %dot_general3A_23, %dot_general3A_26 : vector<2048x512xf32>
    %slice3A_27 = vector.extract_strided_slice %get3A_22 {offsets = [256, 0], sizes = [128, 512], strides = [1, 1]} : vector<384x512xf32> to vector<128x512xf32>
    %dot_general3A_28 = arith.constant dense<0.000000e+00> : vector<2048x512xf32>
    %dot_general3A_29 = tpu.matmul %select_n3A_19, %slice3A_27, %dot_general3A_28 {dimension_numbers = #tpu.dot_dimension_numbers<[1], [0], [0], [1], [0, 0, 1, 1], [], []>, transpose_lhs_hint = false} : vector<2048x128xf32>, vector<128x512xf32>, vector<2048x512xf32> -> vector<2048x512xf32>
    %add3A_30 = arith.addf %add3A, %dot_general3A_29 : vector<2048x512xf32>
    %get3A_31 = arith.constant 0 : index
    %get3A_32 = arith.constant 0 : index
    %get3A_33 = vector.load %arg5[%get3A_31, %get3A_32] : memref<8x512xf32, #tpu.memory_space<vmem>>, vector<8x512xf32>
    %slice3A_34 = vector.extract_strided_slice %get3A_33 {offsets = [0, 0], sizes = [1, 512], strides = [1, 1]} : vector<8x512xf32> to vector<1x512xf32>
    %slice3A_35 = vector.extract_strided_slice %get3A_33 {offsets = [1, 0], sizes = [1, 512], strides = [1, 1]} : vector<8x512xf32> to vector<1x512xf32>
    %slice3A_36 = vector.extract_strided_slice %get3A_33 {offsets = [2, 0], sizes = [1, 512], strides = [1, 1]} : vector<8x512xf32> to vector<1x512xf32>
    %slice3A_37 = vector.extract_strided_slice %get3A_33 {offsets = [3, 0], sizes = [1, 512], strides = [1, 1]} : vector<8x512xf32> to vector<1x512xf32>
    %slice3A_38 = vector.extract_strided_slice %get3A_33 {offsets = [4, 0], sizes = [1, 512], strides = [1, 1]} : vector<8x512xf32> to vector<1x512xf32>
    %slice3A_39 = vector.extract_strided_slice %get3A_33 {offsets = [3, 0], sizes = [1, 512], strides = [1, 1]} : vector<8x512xf32> to vector<1x512xf32>
    %sub3A = arith.subf %slice3A_38, %slice3A_39 : vector<1x512xf32>
    %add3A_40 = vector.broadcast %slice3A_34 : vector<1x512xf32> to vector<2048x512xf32>
    %add3A_41 = arith.addf %add3A_30, %add3A_40 : vector<2048x512xf32>
    %add3A_42 = vector.broadcast %slice3A_37 : vector<1x512xf32> to vector<2048x512xf32>
    %add3A_43 = arith.addf %add3A_41, %add3A_42 : vector<2048x512xf32>
    %reshape3A_44 = vector.shape_cast %add3A_43 : vector<2048x512xf32> to vector<4x512x512xf32>
    %get3A_45 = arith.constant 0 : index
    %get3A_46 = arith.constant 0 : index
    %get3A_47 = vector.load %arg4[%get3A_45, %get3A_46] : memref<512x512xf32, #tpu.memory_space<vmem>>, vector<512x512xf32>
    %get3A_48 = arith.constant 0 : index
    %get3A_49 = arith.constant 0 : index
    %get3A_50 = arith.constant 0 : index
    %get3A_51 = vector.load %arg2[%get3A_48, %get3A_49, %get3A_50] : memref<1x4x512xi32, #tpu.memory_space<vmem>>, vector<1x4x512xi32>
    %get3A_52 = vector.shape_cast %get3A_51 : vector<1x4x512xi32> to vector<4x512xi32>
    %convert_element_type3A = arith.sitofp %get3A_52 : vector<4x512xi32> to vector<4x512xf32>
    %transpose3A = tpu.transpose %convert_element_type3A, [1, 0] : vector<4x512xf32> -> vector<512x4xf32>
    %slice3A_53 = vector.extract_strided_slice %transpose3A {offsets = [0, 0], sizes = [512, 1], strides = [1, 1]} : vector<512x4xf32> to vector<512x1xf32>
    %slice3A_54 = vector.extract_strided_slice %reshape3A_44 {offsets = [0, 0, 0], sizes = [1, 512, 512], strides = [1, 1, 1]} : vector<4x512x512xf32> to vector<1x512x512xf32>
    %squeeze3A = vector.shape_cast %slice3A_54 : vector<1x512x512xf32> to vector<512x512xf32>
    %add3A_55 = arith.addf %squeeze3A, %get3A_47 : vector<512x512xf32>
    %mul3A = vector.broadcast %slice3A_53 : vector<512x1xf32> to vector<512x512xf32>
    %mul3A_56 = vector.broadcast %sub3A : vector<1x512xf32> to vector<512x512xf32>
    %mul3A_57 = arith.mulf %mul3A, %mul3A_56 : vector<512x512xf32>
    %add3A_58 = arith.addf %add3A_55, %mul3A_57 : vector<512x512xf32>
    %mul3A_59 = vector.broadcast %slice3A_35 : vector<1x512xf32> to vector<512x512xf32>
    %mul3A_60 = arith.mulf %add3A_58, %mul3A_59 : vector<512x512xf32>
    %add3A_61 = vector.broadcast %slice3A_36 : vector<1x512xf32> to vector<512x512xf32>
    %add3A_62 = arith.addf %mul3A_60, %add3A_61 : vector<512x512xf32>
    %swap3A = arith.constant 0 : index
    %swap3A_63 = arith.constant 0 : index
    %swap3A_64 = arith.constant 0 : index
    %swap3A_65 = vector.load %arg7[%swap3A, %swap3A_63, %swap3A_64] : memref<4x512x512xf32, #tpu.memory_space<vmem>>, vector<1x512x512xf32>
    %swap3A_66 = vector.shape_cast %swap3A_65 : vector<1x512x512xf32> to vector<512x512xf32>
    %swap3A_67 = vector.shape_cast %add3A_62 : vector<512x512xf32> to vector<1x512x512xf32>
    tpu.vector_store %arg7[%swap3A, %swap3A_63, %swap3A_64], %swap3A_67 {strides = array<i32>} : memref<4x512x512xf32, #tpu.memory_space<vmem>>, vector<1x512x512xf32>,
    %slice3A_68 = vector.extract_strided_slice %transpose3A {offsets = [0, 1], sizes = [512, 1], strides = [1, 1]} : vector<512x4xf32> to vector<512x1xf32>
    %slice3A_69 = vector.extract_strided_slice %reshape3A_44 {offsets = [1, 0, 0], sizes = [1, 512, 512], strides = [1, 1, 1]} : vector<4x512x512xf32> to vector<1x512x512xf32>
    %squeeze3A_70 = vector.shape_cast %slice3A_69 : vector<1x512x512xf32> to vector<512x512xf32>
    %add3A_71 = arith.addf %squeeze3A_70, %get3A_47 : vector<512x512xf32>
    %mul3A_72 = vector.broadcast %slice3A_68 : vector<512x1xf32> to vector<512x512xf32>
    %mul3A_73 = vector.broadcast %sub3A : vector<1x512xf32> to vector<512x512xf32>
    %mul3A_74 = arith.mulf %mul3A_72, %mul3A_73 : vector<512x512xf32>
    %add3A_75 = arith.addf %add3A_71, %mul3A_74 : vector<512x512xf32>
    %mul3A_76 = vector.broadcast %slice3A_35 : vector<1x512xf32> to vector<512x512xf32>
    %mul3A_77 = arith.mulf %add3A_75, %mul3A_76 : vector<512x512xf32>
    %add3A_78 = vector.broadcast %slice3A_36 : vector<1x512xf32> to vector<512x512xf32>
    %add3A_79 = arith.addf %mul3A_77, %add3A_78 : vector<512x512xf32>
    %swap3A_80 = arith.constant 1 : index
    %swap3A_81 = arith.constant 0 : index
    %swap3A_82 = arith.constant 0 : index
    %swap3A_83 = vector.load %arg7[%swap3A_80, %swap3A_81, %swap3A_82] : memref<4x512x512xf32, #tpu.memory_space<vmem>>, vector<1x512x512xf32>
    %swap3A_84 = vector.shape_cast %swap3A_83 : vector<1x512x512xf32> to vector<512x512xf32>
    %swap3A_85 = vector.shape_cast %add3A_79 : vector<512x512xf32> to vector<1x512x512xf32>
    tpu.vector_store %arg7[%swap3A_80, %swap3A_81, %swap3A_82], %swap3A_85 {strides = array<i32>} : memref<4x512x512xf32, #tpu.memory_space<vmem>>, vector<1x512x512xf32>,
    %slice3A_86 = vector.extract_strided_slice %transpose3A {offsets = [0, 2], sizes = [512, 1], strides = [1, 1]} : vector<512x4xf32> to vector<512x1xf32>
    %slice3A_87 = vector.extract_strided_slice %reshape3A_44 {offsets = [2, 0, 0], sizes = [1, 512, 512], strides = [1, 1, 1]} : vector<4x512x512xf32> to vector<1x512x512xf32>
    %squeeze3A_88 = vector.shape_cast %slice3A_87 : vector<1x512x512xf32> to vector<512x512xf32>
    %add3A_89 = arith.addf %squeeze3A_88, %get3A_47 : vector<512x512xf32>
    %mul3A_90 = vector.broadcast %slice3A_86 : vector<512x1xf32> to vector<512x512xf32>
    %mul3A_91 = vector.broadcast %sub3A : vector<1x512xf32> to vector<512x512xf32>
    %mul3A_92 = arith.mulf %mul3A_90, %mul3A_91 : vector<512x512xf32>
    %add3A_93 = arith.addf %add3A_89, %mul3A_92 : vector<512x512xf32>
    %mul3A_94 = vector.broadcast %slice3A_35 : vector<1x512xf32> to vector<512x512xf32>
    %mul3A_95 = arith.mulf %add3A_93, %mul3A_94 : vector<512x512xf32>
    %add3A_96 = vector.broadcast %slice3A_36 : vector<1x512xf32> to vector<512x512xf32>
    %add3A_97 = arith.addf %mul3A_95, %add3A_96 : vector<512x512xf32>
    %swap3A_98 = arith.constant 2 : index
    %swap3A_99 = arith.constant 0 : index
    %swap3A_100 = arith.constant 0 : index
    %swap3A_101 = vector.load %arg7[%swap3A_98, %swap3A_99, %swap3A_100] : memref<4x512x512xf32, #tpu.memory_space<vmem>>, vector<1x512x512xf32>
    %swap3A_102 = vector.shape_cast %swap3A_101 : vector<1x512x512xf32> to vector<512x512xf32>
    %swap3A_103 = vector.shape_cast %add3A_97 : vector<512x512xf32> to vector<1x512x512xf32>
    tpu.vector_store %arg7[%swap3A_98, %swap3A_99, %swap3A_100], %swap3A_103 {strides = array<i32>} : memref<4x512x512xf32, #tpu.memory_space<vmem>>, vector<1x512x512xf32>,
    %slice3A_104 = vector.extract_strided_slice %transpose3A {offsets = [0, 3], sizes = [512, 1], strides = [1, 1]} : vector<512x4xf32> to vector<512x1xf32>
    %slice3A_105 = vector.extract_strided_slice %reshape3A_44 {offsets = [3, 0, 0], sizes = [1, 512, 512], strides = [1, 1, 1]} : vector<4x512x512xf32> to vector<1x512x512xf32>
    %squeeze3A_106 = vector.shape_cast %slice3A_105 : vector<1x512x512xf32> to vector<512x512xf32>
    %add3A_107 = arith.addf %squeeze3A_106, %get3A_47 : vector<512x512xf32>
    %mul3A_108 = vector.broadcast %slice3A_104 : vector<512x1xf32> to vector<512x512xf32>
    %mul3A_109 = vector.broadcast %sub3A : vector<1x512xf32> to vector<512x512xf32>
    %mul3A_110 = arith.mulf %mul3A_108, %mul3A_109 : vector<512x512xf32>
    %add3A_111 = arith.addf %add3A_107, %mul3A_110 : vector<512x512xf32>
    %mul3A_112 = vector.broadcast %slice3A_35 : vector<1x512xf32> to vector<512x512xf32>
    %mul3A_113 = arith.mulf %add3A_111, %mul3A_112 : vector<512x512xf32>
    %add3A_114 = vector.broadcast %slice3A_36 : vector<1x512xf32> to vector<512x512xf32>
    %add3A_115 = arith.addf %mul3A_113, %add3A_114 : vector<512x512xf32>
    %swap3A_116 = arith.constant 3 : index
    %swap3A_117 = arith.constant 0 : index
    %swap3A_118 = arith.constant 0 : index
    %swap3A_119 = vector.load %arg7[%swap3A_116, %swap3A_117, %swap3A_118] : memref<4x512x512xf32, #tpu.memory_space<vmem>>, vector<1x512x512xf32>
    %swap3A_120 = vector.shape_cast %swap3A_119 : vector<1x512x512xf32> to vector<512x512xf32>
    %swap3A_121 = vector.shape_cast %add3A_115 : vector<512x512xf32> to vector<1x512x512xf32>
    tpu.vector_store %arg7[%swap3A_116, %swap3A_117, %swap3A_118], %swap3A_121 {strides = array<i32>} : memref<4x512x512xf32, #tpu.memory_space<vmem>>, vector<1x512x512xf32>,
    return
  }
  func.func @transform_0(%arg0: i32) -> (i32, i32, i32) {
    %c0_i32 = arith.constant 0 : i32
    %c0_i32_0 = arith.constant 0 : i32
    %c0_i32_1 = arith.constant 0 : i32
    return %arg0, %c0_i32, %c0_i32_0 : i32, i32, i32
  }
  func.func @transform_1(%arg0: i32) -> (i32, i32, i32) {
    %c0_i32 = arith.constant 0 : i32
    %c0_i32_0 = arith.constant 0 : i32
    %c0_i32_1 = arith.constant 0 : i32
    return %arg0, %c0_i32, %c0_i32_0 : i32, i32, i32
  }
  func.func @transform_2(%arg0: i32) -> (i32, i32) {
    %c0_i32 = arith.constant 0 : i32
    %c0_i32_0 = arith.constant 0 : i32
    %c0_i32_1 = arith.constant 0 : i32
    return %c0_i32, %c0_i32_0 : i32, i32
  }
  func.func @transform_3(%arg0: i32) -> (i32, i32) {
    %c0_i32 = arith.constant 0 : i32
    %c0_i32_0 = arith.constant 0 : i32
    %c0_i32_1 = arith.constant 0 : i32
    return %c0_i32, %c0_i32_0 : i32, i32
  }
  func.func @transform_4(%arg0: i32) -> (i32, i32) {
    %c0_i32 = arith.constant 0 : i32
    %c0_i32_0 = arith.constant 0 : i32
    %c0_i32_1 = arith.constant 0 : i32
    return %c0_i32, %c0_i32_0 : i32, i32
  }
  func.func @transform_6(%arg0: i32) -> (i32, i32, i32) {
    %add3A = arith.constant 8 : i32
    %add3A_0 = arith.addi %arg0, %add3A : i32
    %c0_i32 = arith.constant 0 : i32
    %c0_i32_1 = arith.constant 0 : i32
    %c0_i32_2 = arith.constant 0 : i32
    return %add3A_0, %c0_i32, %c0_i32_1 : i32, i32, i32
  }
}

module attributes {stable_mosaic.version = 14 : i64} {
  func.func @_tc_body(%arg0: i32, %arg1: memref<4x512x128xf32, #tpu.memory_space<vmem>>, %arg2: memref<1x4x512xi32, #tpu.memory_space<vmem>>, %arg3: memref<384x512xf32, #tpu.memory_space<vmem>>, %arg4: memref<512x512xf32, #tpu.memory_space<vmem>>, %arg5: memref<8x512xf32, #tpu.memory_space<vmem>>, %arg6: memref<4x512x512xf32, #tpu.memory_space<vmem>>) attributes {dimension_semantics = [#tpu.dimension_semantics<arbitrary>], iteration_bounds = array<i64: 8>, scalar_prefetch = 0 : i64, scratch_operands = 0 : i64, tpu.core_type = #tpu.core_type<tc>, window_params = [{transform_indices = @transform_0, window_bounds = array<i64: 4, 512, 128>}, {transform_indices = @transform_1, window_bounds = array<i64: 1, 4, 512>}, {pipeline_mode = #tpu.pipeline_mode<synchronous>, transform_indices = @transform_2, window_bounds = array<i64: 384, 512>}, {pipeline_mode = #tpu.pipeline_mode<synchronous>, transform_indices = @transform_3, window_bounds = array<i64: 512, 512>}, {pipeline_mode = #tpu.pipeline_mode<synchronous>, transform_indices = @transform_4, window_bounds = array<i64: 8, 512>}, {transform_indices = @transform_5, window_bounds = array<i64: 4, 512, 512>}]} {
    %get3A = arith.constant 0 : index
    %get3A_0 = arith.constant 0 : index
    %get3A_1 = arith.constant 0 : index
    %get3A_2 = vector.load %arg1[%get3A, %get3A_0, %get3A_1] : memref<4x512x128xf32, #tpu.memory_space<vmem>>, vector<4x512x128xf32>
    %reshape3A = vector.shape_cast %get3A_2 : vector<4x512x128xf32> to vector<2048x128xf32>
    %roll3A = arith.constant 2047 : i32
    %roll3A_3 = tpu.dynamic_rotate %reshape3A by %roll3A dim 0 : vector<2048x128xf32>, i32 -> vector<2048x128xf32>
    %roll3A_4 = arith.constant 1 : i32
    %roll3A_5 = tpu.dynamic_rotate %reshape3A by %roll3A_4 dim 0 : vector<2048x128xf32>, i32 -> vector<2048x128xf32>
    %iota3A = tpu.iota {dimensions = array<i32: 0>} : vector<2048x1xi32>
    %rem3A = arith.constant 512 : i32
    %rem3A_6 = vector.broadcast %rem3A : i32 to vector<2048x1xi32>
    %rem3A_7 = arith.remsi %iota3A, %rem3A_6 : vector<2048x1xi32>
    %ne3A = arith.constant 511 : i32
    %ne3A_8 = vector.broadcast %ne3A : i32 to vector<2048x1xi32>
    %ne3A_9 = arith.cmpi ne, %rem3A_7, %ne3A_8 : vector<2048x1xi32>
    %jit3A = arith.constant 0.000000e+00 : f32
    %broadcast_in_dim3A = vector.shape_cast %ne3A_9 : vector<2048x1xi1> to vector<2048x1xi1>
    %broadcast_in_dim3A_10 = vector.broadcast %broadcast_in_dim3A : vector<2048x1xi1> to vector<2048x128xi1>
    %broadcast_in_dim3A_11 = vector.broadcast %jit3A : f32 to vector<2048x128xf32>
    %select_n3A = arith.select %broadcast_in_dim3A_10, %roll3A_3, %broadcast_in_dim3A_11 : vector<2048x128xi1>, vector<2048x128xf32>
    %ne3A_12 = arith.constant 0 : i32
    %ne3A_13 = vector.broadcast %ne3A_12 : i32 to vector<2048x1xi32>
    %ne3A_14 = arith.cmpi ne, %rem3A_7, %ne3A_13 : vector<2048x1xi32>
    %jit3A_15 = arith.constant 0.000000e+00 : f32
    %broadcast_in_dim3A_16 = vector.shape_cast %ne3A_14 : vector<2048x1xi1> to vector<2048x1xi1>
    %broadcast_in_dim3A_17 = vector.broadcast %broadcast_in_dim3A_16 : vector<2048x1xi1> to vector<2048x128xi1>
    %broadcast_in_dim3A_18 = vector.broadcast %jit3A_15 : f32 to vector<2048x128xf32>
    %select_n3A_19 = arith.select %broadcast_in_dim3A_17, %roll3A_5, %broadcast_in_dim3A_18 : vector<2048x128xi1>, vector<2048x128xf32>
    %get3A_20 = arith.constant 0 : index
    %get3A_21 = arith.constant 0 : index
    %get3A_22 = vector.load %arg3[%get3A_20, %get3A_21] : memref<384x512xf32, #tpu.memory_space<vmem>>, vector<384x512xf32>
    %slice3A = vector.extract_strided_slice %get3A_22 {offsets = [0, 0], sizes = [128, 512], strides = [1, 1]} : vector<384x512xf32> to vector<128x512xf32>
    %dot_general3A = arith.constant dense<0.000000e+00> : vector<2048x512xf32>
    %dot_general3A_23 = tpu.matmul %select_n3A, %slice3A, %dot_general3A {dimension_numbers = #tpu.dot_dimension_numbers<[1], [0], [0], [1], [0, 0, 1, 1], [], []>, transpose_lhs_hint = false} : vector<2048x128xf32>, vector<128x512xf32>, vector<2048x512xf32> -> vector<2048x512xf32>
    %slice3A_24 = vector.extract_strided_slice %get3A_22 {offsets = [128, 0], sizes = [128, 512], strides = [1, 1]} : vector<384x512xf32> to vector<128x512xf32>
    %dot_general3A_25 = arith.constant dense<0.000000e+00> : vector<2048x512xf32>
    %dot_general3A_26 = tpu.matmul %reshape3A, %slice3A_24, %dot_general3A_25 {dimension_numbers = #tpu.dot_dimension_numbers<[1], [0], [0], [1], [0, 0, 1, 1], [], []>, transpose_lhs_hint = false} : vector<2048x128xf32>, vector<128x512xf32>, vector<2048x512xf32> -> vector<2048x512xf32>
    %add3A = arith.addf %dot_general3A_23, %dot_general3A_26 : vector<2048x512xf32>
    %slice3A_27 = vector.extract_strided_slice %get3A_22 {offsets = [256, 0], sizes = [128, 512], strides = [1, 1]} : vector<384x512xf32> to vector<128x512xf32>
    %dot_general3A_28 = arith.constant dense<0.000000e+00> : vector<2048x512xf32>
    %dot_general3A_29 = tpu.matmul %select_n3A_19, %slice3A_27, %dot_general3A_28 {dimension_numbers = #tpu.dot_dimension_numbers<[1], [0], [0], [1], [0, 0, 1, 1], [], []>, transpose_lhs_hint = false} : vector<2048x128xf32>, vector<128x512xf32>, vector<2048x512xf32> -> vector<2048x512xf32>
    %add3A_30 = arith.addf %add3A, %dot_general3A_29 : vector<2048x512xf32>
    %get3A_31 = arith.constant 0 : index
    %get3A_32 = arith.constant 0 : index
    %get3A_33 = vector.load %arg5[%get3A_31, %get3A_32] : memref<8x512xf32, #tpu.memory_space<vmem>>, vector<8x512xf32>
    %slice3A_34 = vector.extract_strided_slice %get3A_33 {offsets = [0, 0], sizes = [1, 512], strides = [1, 1]} : vector<8x512xf32> to vector<1x512xf32>
    %slice3A_35 = vector.extract_strided_slice %get3A_33 {offsets = [1, 0], sizes = [1, 512], strides = [1, 1]} : vector<8x512xf32> to vector<1x512xf32>
    %slice3A_36 = vector.extract_strided_slice %get3A_33 {offsets = [2, 0], sizes = [1, 512], strides = [1, 1]} : vector<8x512xf32> to vector<1x512xf32>
    %slice3A_37 = vector.extract_strided_slice %get3A_33 {offsets = [3, 0], sizes = [1, 512], strides = [1, 1]} : vector<8x512xf32> to vector<1x512xf32>
    %slice3A_38 = vector.extract_strided_slice %get3A_33 {offsets = [4, 0], sizes = [1, 512], strides = [1, 1]} : vector<8x512xf32> to vector<1x512xf32>
    %slice3A_39 = vector.extract_strided_slice %get3A_33 {offsets = [3, 0], sizes = [1, 512], strides = [1, 1]} : vector<8x512xf32> to vector<1x512xf32>
    %sub3A = arith.subf %slice3A_38, %slice3A_39 : vector<1x512xf32>
    %add3A_40 = vector.broadcast %slice3A_34 : vector<1x512xf32> to vector<2048x512xf32>
    %add3A_41 = arith.addf %add3A_30, %add3A_40 : vector<2048x512xf32>
    %add3A_42 = vector.broadcast %slice3A_37 : vector<1x512xf32> to vector<2048x512xf32>
    %add3A_43 = arith.addf %add3A_41, %add3A_42 : vector<2048x512xf32>
    %reshape3A_44 = vector.shape_cast %add3A_43 : vector<2048x512xf32> to vector<4x512x512xf32>
    %get3A_45 = arith.constant 0 : index
    %get3A_46 = arith.constant 0 : index
    %get3A_47 = vector.load %arg4[%get3A_45, %get3A_46] : memref<512x512xf32, #tpu.memory_space<vmem>>, vector<512x512xf32>
    %get3A_48 = arith.constant 0 : index
    %get3A_49 = arith.constant 0 : index
    %get3A_50 = arith.constant 0 : index
    %get3A_51 = vector.load %arg2[%get3A_48, %get3A_49, %get3A_50] : memref<1x4x512xi32, #tpu.memory_space<vmem>>, vector<1x4x512xi32>
    %get3A_52 = vector.shape_cast %get3A_51 : vector<1x4x512xi32> to vector<4x512xi32>
    %convert_element_type3A = arith.sitofp %get3A_52 : vector<4x512xi32> to vector<4x512xf32>
    %transpose3A = tpu.transpose %convert_element_type3A, [1, 0] : vector<4x512xf32> -> vector<512x4xf32>
    %slice3A_53 = vector.extract_strided_slice %transpose3A {offsets = [0, 0], sizes = [512, 1], strides = [1, 1]} : vector<512x4xf32> to vector<512x1xf32>
    %slice3A_54 = vector.extract_strided_slice %reshape3A_44 {offsets = [0, 0, 0], sizes = [1, 512, 512], strides = [1, 1, 1]} : vector<4x512x512xf32> to vector<1x512x512xf32>
    %squeeze3A = vector.shape_cast %slice3A_54 : vector<1x512x512xf32> to vector<512x512xf32>
    %add3A_55 = arith.addf %squeeze3A, %get3A_47 : vector<512x512xf32>
    %mul3A = vector.broadcast %slice3A_53 : vector<512x1xf32> to vector<512x512xf32>
    %mul3A_56 = vector.broadcast %sub3A : vector<1x512xf32> to vector<512x512xf32>
    %mul3A_57 = arith.mulf %mul3A, %mul3A_56 : vector<512x512xf32>
    %add3A_58 = arith.addf %add3A_55, %mul3A_57 : vector<512x512xf32>
    %mul3A_59 = vector.broadcast %slice3A_35 : vector<1x512xf32> to vector<512x512xf32>
    %mul3A_60 = arith.mulf %add3A_58, %mul3A_59 : vector<512x512xf32>
    %add3A_61 = vector.broadcast %slice3A_36 : vector<1x512xf32> to vector<512x512xf32>
    %add3A_62 = arith.addf %mul3A_60, %add3A_61 : vector<512x512xf32>
    %swap3A = arith.constant 0 : index
    %swap3A_63 = arith.constant 0 : index
    %swap3A_64 = arith.constant 0 : index
    %swap3A_65 = vector.load %arg6[%swap3A, %swap3A_63, %swap3A_64] : memref<4x512x512xf32, #tpu.memory_space<vmem>>, vector<1x512x512xf32>
    %swap3A_66 = vector.shape_cast %swap3A_65 : vector<1x512x512xf32> to vector<512x512xf32>
    %swap3A_67 = vector.shape_cast %add3A_62 : vector<512x512xf32> to vector<1x512x512xf32>
    tpu.vector_store %arg6[%swap3A, %swap3A_63, %swap3A_64], %swap3A_67 {strides = array<i32>} : memref<4x512x512xf32, #tpu.memory_space<vmem>>, vector<1x512x512xf32>,
    %slice3A_68 = vector.extract_strided_slice %transpose3A {offsets = [0, 1], sizes = [512, 1], strides = [1, 1]} : vector<512x4xf32> to vector<512x1xf32>
    %slice3A_69 = vector.extract_strided_slice %reshape3A_44 {offsets = [1, 0, 0], sizes = [1, 512, 512], strides = [1, 1, 1]} : vector<4x512x512xf32> to vector<1x512x512xf32>
    %squeeze3A_70 = vector.shape_cast %slice3A_69 : vector<1x512x512xf32> to vector<512x512xf32>
    %add3A_71 = arith.addf %squeeze3A_70, %get3A_47 : vector<512x512xf32>
    %mul3A_72 = vector.broadcast %slice3A_68 : vector<512x1xf32> to vector<512x512xf32>
    %mul3A_73 = vector.broadcast %sub3A : vector<1x512xf32> to vector<512x512xf32>
    %mul3A_74 = arith.mulf %mul3A_72, %mul3A_73 : vector<512x512xf32>
    %add3A_75 = arith.addf %add3A_71, %mul3A_74 : vector<512x512xf32>
    %mul3A_76 = vector.broadcast %slice3A_35 : vector<1x512xf32> to vector<512x512xf32>
    %mul3A_77 = arith.mulf %add3A_75, %mul3A_76 : vector<512x512xf32>
    %add3A_78 = vector.broadcast %slice3A_36 : vector<1x512xf32> to vector<512x512xf32>
    %add3A_79 = arith.addf %mul3A_77, %add3A_78 : vector<512x512xf32>
    %swap3A_80 = arith.constant 1 : index
    %swap3A_81 = arith.constant 0 : index
    %swap3A_82 = arith.constant 0 : index
    %swap3A_83 = vector.load %arg6[%swap3A_80, %swap3A_81, %swap3A_82] : memref<4x512x512xf32, #tpu.memory_space<vmem>>, vector<1x512x512xf32>
    %swap3A_84 = vector.shape_cast %swap3A_83 : vector<1x512x512xf32> to vector<512x512xf32>
    %swap3A_85 = vector.shape_cast %add3A_79 : vector<512x512xf32> to vector<1x512x512xf32>
    tpu.vector_store %arg6[%swap3A_80, %swap3A_81, %swap3A_82], %swap3A_85 {strides = array<i32>} : memref<4x512x512xf32, #tpu.memory_space<vmem>>, vector<1x512x512xf32>,
    %slice3A_86 = vector.extract_strided_slice %transpose3A {offsets = [0, 2], sizes = [512, 1], strides = [1, 1]} : vector<512x4xf32> to vector<512x1xf32>
    %slice3A_87 = vector.extract_strided_slice %reshape3A_44 {offsets = [2, 0, 0], sizes = [1, 512, 512], strides = [1, 1, 1]} : vector<4x512x512xf32> to vector<1x512x512xf32>
    %squeeze3A_88 = vector.shape_cast %slice3A_87 : vector<1x512x512xf32> to vector<512x512xf32>
    %add3A_89 = arith.addf %squeeze3A_88, %get3A_47 : vector<512x512xf32>
    %mul3A_90 = vector.broadcast %slice3A_86 : vector<512x1xf32> to vector<512x512xf32>
    %mul3A_91 = vector.broadcast %sub3A : vector<1x512xf32> to vector<512x512xf32>
    %mul3A_92 = arith.mulf %mul3A_90, %mul3A_91 : vector<512x512xf32>
    %add3A_93 = arith.addf %add3A_89, %mul3A_92 : vector<512x512xf32>
    %mul3A_94 = vector.broadcast %slice3A_35 : vector<1x512xf32> to vector<512x512xf32>
    %mul3A_95 = arith.mulf %add3A_93, %mul3A_94 : vector<512x512xf32>
    %add3A_96 = vector.broadcast %slice3A_36 : vector<1x512xf32> to vector<512x512xf32>
    %add3A_97 = arith.addf %mul3A_95, %add3A_96 : vector<512x512xf32>
    %swap3A_98 = arith.constant 2 : index
    %swap3A_99 = arith.constant 0 : index
    %swap3A_100 = arith.constant 0 : index
    %swap3A_101 = vector.load %arg6[%swap3A_98, %swap3A_99, %swap3A_100] : memref<4x512x512xf32, #tpu.memory_space<vmem>>, vector<1x512x512xf32>
    %swap3A_102 = vector.shape_cast %swap3A_101 : vector<1x512x512xf32> to vector<512x512xf32>
    %swap3A_103 = vector.shape_cast %add3A_97 : vector<512x512xf32> to vector<1x512x512xf32>
    tpu.vector_store %arg6[%swap3A_98, %swap3A_99, %swap3A_100], %swap3A_103 {strides = array<i32>} : memref<4x512x512xf32, #tpu.memory_space<vmem>>, vector<1x512x512xf32>,
    %slice3A_104 = vector.extract_strided_slice %transpose3A {offsets = [0, 3], sizes = [512, 1], strides = [1, 1]} : vector<512x4xf32> to vector<512x1xf32>
    %slice3A_105 = vector.extract_strided_slice %reshape3A_44 {offsets = [3, 0, 0], sizes = [1, 512, 512], strides = [1, 1, 1]} : vector<4x512x512xf32> to vector<1x512x512xf32>
    %squeeze3A_106 = vector.shape_cast %slice3A_105 : vector<1x512x512xf32> to vector<512x512xf32>
    %add3A_107 = arith.addf %squeeze3A_106, %get3A_47 : vector<512x512xf32>
    %mul3A_108 = vector.broadcast %slice3A_104 : vector<512x1xf32> to vector<512x512xf32>
    %mul3A_109 = vector.broadcast %sub3A : vector<1x512xf32> to vector<512x512xf32>
    %mul3A_110 = arith.mulf %mul3A_108, %mul3A_109 : vector<512x512xf32>
    %add3A_111 = arith.addf %add3A_107, %mul3A_110 : vector<512x512xf32>
    %mul3A_112 = vector.broadcast %slice3A_35 : vector<1x512xf32> to vector<512x512xf32>
    %mul3A_113 = arith.mulf %add3A_111, %mul3A_112 : vector<512x512xf32>
    %add3A_114 = vector.broadcast %slice3A_36 : vector<1x512xf32> to vector<512x512xf32>
    %add3A_115 = arith.addf %mul3A_113, %add3A_114 : vector<512x512xf32>
    %swap3A_116 = arith.constant 3 : index
    %swap3A_117 = arith.constant 0 : index
    %swap3A_118 = arith.constant 0 : index
    %swap3A_119 = vector.load %arg6[%swap3A_116, %swap3A_117, %swap3A_118] : memref<4x512x512xf32, #tpu.memory_space<vmem>>, vector<1x512x512xf32>
    %swap3A_120 = vector.shape_cast %swap3A_119 : vector<1x512x512xf32> to vector<512x512xf32>
    %swap3A_121 = vector.shape_cast %add3A_115 : vector<512x512xf32> to vector<1x512x512xf32>
    tpu.vector_store %arg6[%swap3A_116, %swap3A_117, %swap3A_118], %swap3A_121 {strides = array<i32>} : memref<4x512x512xf32, #tpu.memory_space<vmem>>, vector<1x512x512xf32>,
    return
  }
  func.func @transform_0(%arg0: i32) -> (i32, i32, i32) {
    %c0_i32 = arith.constant 0 : i32
    %c0_i32_0 = arith.constant 0 : i32
    %c0_i32_1 = arith.constant 0 : i32
    return %arg0, %c0_i32, %c0_i32_0 : i32, i32, i32
  }
  func.func @transform_1(%arg0: i32) -> (i32, i32, i32) {
    %c0_i32 = arith.constant 0 : i32
    %c0_i32_0 = arith.constant 0 : i32
    %c0_i32_1 = arith.constant 0 : i32
    return %arg0, %c0_i32, %c0_i32_0 : i32, i32, i32
  }
  func.func @transform_2(%arg0: i32) -> (i32, i32) {
    %c0_i32 = arith.constant 0 : i32
    %c0_i32_0 = arith.constant 0 : i32
    %c0_i32_1 = arith.constant 0 : i32
    return %c0_i32, %c0_i32_0 : i32, i32
  }
  func.func @transform_3(%arg0: i32) -> (i32, i32) {
    %c0_i32 = arith.constant 0 : i32
    %c0_i32_0 = arith.constant 0 : i32
    %c0_i32_1 = arith.constant 0 : i32
    return %c0_i32, %c0_i32_0 : i32, i32
  }
  func.func @transform_4(%arg0: i32) -> (i32, i32) {
    %c0_i32 = arith.constant 0 : i32
    %c0_i32_0 = arith.constant 0 : i32
    %c0_i32_1 = arith.constant 0 : i32
    return %c0_i32, %c0_i32_0 : i32, i32
  }
  func.func @transform_5(%arg0: i32) -> (i32, i32, i32) {
    %add3A = arith.constant 0 : i32
    %add3A_0 = arith.addi %arg0, %add3A : i32
    %c0_i32 = arith.constant 0 : i32
    %c0_i32_1 = arith.constant 0 : i32
    %c0_i32_2 = arith.constant 0 : i32
    return %add3A_0, %c0_i32, %c0_i32_1 : i32, i32, i32
  }
}

module attributes {stable_mosaic.version = 14 : i64} {
  func.func @_tc_body(%arg0: i32, %arg1: memref<4x512x128xf32, #tpu.memory_space<vmem>>, %arg2: memref<1x4x512xi32, #tpu.memory_space<vmem>>, %arg3: memref<384x512xf32, #tpu.memory_space<vmem>>, %arg4: memref<512x512xf32, #tpu.memory_space<vmem>>, %arg5: memref<8x512xf32, #tpu.memory_space<vmem>>, %arg6: memref<128x512x512xf32, #tpu.memory_space<any>>, %arg7: memref<4x512x512xf32, #tpu.memory_space<vmem>>) attributes {dimension_semantics = [#tpu.dimension_semantics<arbitrary>], iteration_bounds = array<i64: 12>, scalar_prefetch = 0 : i64, scratch_operands = 0 : i64, tpu.core_type = #tpu.core_type<tc>, window_params = [{transform_indices = @transform_0, window_bounds = array<i64: 4, 512, 128>}, {transform_indices = @transform_1, window_bounds = array<i64: 1, 4, 512>}, {pipeline_mode = #tpu.pipeline_mode<synchronous>, transform_indices = @transform_2, window_bounds = array<i64: 384, 512>}, {pipeline_mode = #tpu.pipeline_mode<synchronous>, transform_indices = @transform_3, window_bounds = array<i64: 512, 512>}, {pipeline_mode = #tpu.pipeline_mode<synchronous>, transform_indices = @transform_4, window_bounds = array<i64: 8, 512>}, {}, {transform_indices = @transform_6, window_bounds = array<i64: 4, 512, 512>}]} {
    %get3A = arith.constant 0 : index
    %get3A_0 = arith.constant 0 : index
    %get3A_1 = arith.constant 0 : index
    %get3A_2 = vector.load %arg1[%get3A, %get3A_0, %get3A_1] : memref<4x512x128xf32, #tpu.memory_space<vmem>>, vector<4x512x128xf32>
    %reshape3A = vector.shape_cast %get3A_2 : vector<4x512x128xf32> to vector<2048x128xf32>
    %roll3A = arith.constant 2047 : i32
    %roll3A_3 = tpu.dynamic_rotate %reshape3A by %roll3A dim 0 : vector<2048x128xf32>, i32 -> vector<2048x128xf32>
    %roll3A_4 = arith.constant 1 : i32
    %roll3A_5 = tpu.dynamic_rotate %reshape3A by %roll3A_4 dim 0 : vector<2048x128xf32>, i32 -> vector<2048x128xf32>
    %iota3A = tpu.iota {dimensions = array<i32: 0>} : vector<2048x1xi32>
    %rem3A = arith.constant 512 : i32
    %rem3A_6 = vector.broadcast %rem3A : i32 to vector<2048x1xi32>
    %rem3A_7 = arith.remsi %iota3A, %rem3A_6 : vector<2048x1xi32>
    %ne3A = arith.constant 511 : i32
    %ne3A_8 = vector.broadcast %ne3A : i32 to vector<2048x1xi32>
    %ne3A_9 = arith.cmpi ne, %rem3A_7, %ne3A_8 : vector<2048x1xi32>
    %jit3A = arith.constant 0.000000e+00 : f32
    %broadcast_in_dim3A = vector.shape_cast %ne3A_9 : vector<2048x1xi1> to vector<2048x1xi1>
    %broadcast_in_dim3A_10 = vector.broadcast %broadcast_in_dim3A : vector<2048x1xi1> to vector<2048x128xi1>
    %broadcast_in_dim3A_11 = vector.broadcast %jit3A : f32 to vector<2048x128xf32>
    %select_n3A = arith.select %broadcast_in_dim3A_10, %roll3A_3, %broadcast_in_dim3A_11 : vector<2048x128xi1>, vector<2048x128xf32>
    %ne3A_12 = arith.constant 0 : i32
    %ne3A_13 = vector.broadcast %ne3A_12 : i32 to vector<2048x1xi32>
    %ne3A_14 = arith.cmpi ne, %rem3A_7, %ne3A_13 : vector<2048x1xi32>
    %jit3A_15 = arith.constant 0.000000e+00 : f32
    %broadcast_in_dim3A_16 = vector.shape_cast %ne3A_14 : vector<2048x1xi1> to vector<2048x1xi1>
    %broadcast_in_dim3A_17 = vector.broadcast %broadcast_in_dim3A_16 : vector<2048x1xi1> to vector<2048x128xi1>
    %broadcast_in_dim3A_18 = vector.broadcast %jit3A_15 : f32 to vector<2048x128xf32>
    %select_n3A_19 = arith.select %broadcast_in_dim3A_17, %roll3A_5, %broadcast_in_dim3A_18 : vector<2048x128xi1>, vector<2048x128xf32>
    %get3A_20 = arith.constant 0 : index
    %get3A_21 = arith.constant 0 : index
    %get3A_22 = vector.load %arg3[%get3A_20, %get3A_21] : memref<384x512xf32, #tpu.memory_space<vmem>>, vector<384x512xf32>
    %slice3A = vector.extract_strided_slice %get3A_22 {offsets = [0, 0], sizes = [128, 512], strides = [1, 1]} : vector<384x512xf32> to vector<128x512xf32>
    %dot_general3A = arith.constant dense<0.000000e+00> : vector<2048x512xf32>
    %dot_general3A_23 = tpu.matmul %select_n3A, %slice3A, %dot_general3A {dimension_numbers = #tpu.dot_dimension_numbers<[1], [0], [0], [1], [0, 0, 1, 1], [], []>, transpose_lhs_hint = false} : vector<2048x128xf32>, vector<128x512xf32>, vector<2048x512xf32> -> vector<2048x512xf32>
    %slice3A_24 = vector.extract_strided_slice %get3A_22 {offsets = [128, 0], sizes = [128, 512], strides = [1, 1]} : vector<384x512xf32> to vector<128x512xf32>
    %dot_general3A_25 = arith.constant dense<0.000000e+00> : vector<2048x512xf32>
    %dot_general3A_26 = tpu.matmul %reshape3A, %slice3A_24, %dot_general3A_25 {dimension_numbers = #tpu.dot_dimension_numbers<[1], [0], [0], [1], [0, 0, 1, 1], [], []>, transpose_lhs_hint = false} : vector<2048x128xf32>, vector<128x512xf32>, vector<2048x512xf32> -> vector<2048x512xf32>
    %add3A = arith.addf %dot_general3A_23, %dot_general3A_26 : vector<2048x512xf32>
    %slice3A_27 = vector.extract_strided_slice %get3A_22 {offsets = [256, 0], sizes = [128, 512], strides = [1, 1]} : vector<384x512xf32> to vector<128x512xf32>
    %dot_general3A_28 = arith.constant dense<0.000000e+00> : vector<2048x512xf32>
    %dot_general3A_29 = tpu.matmul %select_n3A_19, %slice3A_27, %dot_general3A_28 {dimension_numbers = #tpu.dot_dimension_numbers<[1], [0], [0], [1], [0, 0, 1, 1], [], []>, transpose_lhs_hint = false} : vector<2048x128xf32>, vector<128x512xf32>, vector<2048x512xf32> -> vector<2048x512xf32>
    %add3A_30 = arith.addf %add3A, %dot_general3A_29 : vector<2048x512xf32>
    %get3A_31 = arith.constant 0 : index
    %get3A_32 = arith.constant 0 : index
    %get3A_33 = vector.load %arg5[%get3A_31, %get3A_32] : memref<8x512xf32, #tpu.memory_space<vmem>>, vector<8x512xf32>
    %slice3A_34 = vector.extract_strided_slice %get3A_33 {offsets = [0, 0], sizes = [1, 512], strides = [1, 1]} : vector<8x512xf32> to vector<1x512xf32>
    %slice3A_35 = vector.extract_strided_slice %get3A_33 {offsets = [1, 0], sizes = [1, 512], strides = [1, 1]} : vector<8x512xf32> to vector<1x512xf32>
    %slice3A_36 = vector.extract_strided_slice %get3A_33 {offsets = [2, 0], sizes = [1, 512], strides = [1, 1]} : vector<8x512xf32> to vector<1x512xf32>
    %slice3A_37 = vector.extract_strided_slice %get3A_33 {offsets = [3, 0], sizes = [1, 512], strides = [1, 1]} : vector<8x512xf32> to vector<1x512xf32>
    %slice3A_38 = vector.extract_strided_slice %get3A_33 {offsets = [4, 0], sizes = [1, 512], strides = [1, 1]} : vector<8x512xf32> to vector<1x512xf32>
    %slice3A_39 = vector.extract_strided_slice %get3A_33 {offsets = [3, 0], sizes = [1, 512], strides = [1, 1]} : vector<8x512xf32> to vector<1x512xf32>
    %sub3A = arith.subf %slice3A_38, %slice3A_39 : vector<1x512xf32>
    %add3A_40 = vector.broadcast %slice3A_34 : vector<1x512xf32> to vector<2048x512xf32>
    %add3A_41 = arith.addf %add3A_30, %add3A_40 : vector<2048x512xf32>
    %add3A_42 = vector.broadcast %slice3A_37 : vector<1x512xf32> to vector<2048x512xf32>
    %add3A_43 = arith.addf %add3A_41, %add3A_42 : vector<2048x512xf32>
    %reshape3A_44 = vector.shape_cast %add3A_43 : vector<2048x512xf32> to vector<4x512x512xf32>
    %get3A_45 = arith.constant 0 : index
    %get3A_46 = arith.constant 0 : index
    %get3A_47 = vector.load %arg4[%get3A_45, %get3A_46] : memref<512x512xf32, #tpu.memory_space<vmem>>, vector<512x512xf32>
    %get3A_48 = arith.constant 0 : index
    %get3A_49 = arith.constant 0 : index
    %get3A_50 = arith.constant 0 : index
    %get3A_51 = vector.load %arg2[%get3A_48, %get3A_49, %get3A_50] : memref<1x4x512xi32, #tpu.memory_space<vmem>>, vector<1x4x512xi32>
    %get3A_52 = vector.shape_cast %get3A_51 : vector<1x4x512xi32> to vector<4x512xi32>
    %convert_element_type3A = arith.sitofp %get3A_52 : vector<4x512xi32> to vector<4x512xf32>
    %transpose3A = tpu.transpose %convert_element_type3A, [1, 0] : vector<4x512xf32> -> vector<512x4xf32>
    %slice3A_53 = vector.extract_strided_slice %transpose3A {offsets = [0, 0], sizes = [512, 1], strides = [1, 1]} : vector<512x4xf32> to vector<512x1xf32>
    %slice3A_54 = vector.extract_strided_slice %reshape3A_44 {offsets = [0, 0, 0], sizes = [1, 512, 512], strides = [1, 1, 1]} : vector<4x512x512xf32> to vector<1x512x512xf32>
    %squeeze3A = vector.shape_cast %slice3A_54 : vector<1x512x512xf32> to vector<512x512xf32>
    %add3A_55 = arith.addf %squeeze3A, %get3A_47 : vector<512x512xf32>
    %mul3A = vector.broadcast %slice3A_53 : vector<512x1xf32> to vector<512x512xf32>
    %mul3A_56 = vector.broadcast %sub3A : vector<1x512xf32> to vector<512x512xf32>
    %mul3A_57 = arith.mulf %mul3A, %mul3A_56 : vector<512x512xf32>
    %add3A_58 = arith.addf %add3A_55, %mul3A_57 : vector<512x512xf32>
    %mul3A_59 = vector.broadcast %slice3A_35 : vector<1x512xf32> to vector<512x512xf32>
    %mul3A_60 = arith.mulf %add3A_58, %mul3A_59 : vector<512x512xf32>
    %add3A_61 = vector.broadcast %slice3A_36 : vector<1x512xf32> to vector<512x512xf32>
    %add3A_62 = arith.addf %mul3A_60, %add3A_61 : vector<512x512xf32>
    %swap3A = arith.constant 0 : index
    %swap3A_63 = arith.constant 0 : index
    %swap3A_64 = arith.constant 0 : index
    %swap3A_65 = vector.load %arg7[%swap3A, %swap3A_63, %swap3A_64] : memref<4x512x512xf32, #tpu.memory_space<vmem>>, vector<1x512x512xf32>
    %swap3A_66 = vector.shape_cast %swap3A_65 : vector<1x512x512xf32> to vector<512x512xf32>
    %swap3A_67 = vector.shape_cast %add3A_62 : vector<512x512xf32> to vector<1x512x512xf32>
    tpu.vector_store %arg7[%swap3A, %swap3A_63, %swap3A_64], %swap3A_67 {strides = array<i32>} : memref<4x512x512xf32, #tpu.memory_space<vmem>>, vector<1x512x512xf32>,
    %slice3A_68 = vector.extract_strided_slice %transpose3A {offsets = [0, 1], sizes = [512, 1], strides = [1, 1]} : vector<512x4xf32> to vector<512x1xf32>
    %slice3A_69 = vector.extract_strided_slice %reshape3A_44 {offsets = [1, 0, 0], sizes = [1, 512, 512], strides = [1, 1, 1]} : vector<4x512x512xf32> to vector<1x512x512xf32>
    %squeeze3A_70 = vector.shape_cast %slice3A_69 : vector<1x512x512xf32> to vector<512x512xf32>
    %add3A_71 = arith.addf %squeeze3A_70, %get3A_47 : vector<512x512xf32>
    %mul3A_72 = vector.broadcast %slice3A_68 : vector<512x1xf32> to vector<512x512xf32>
    %mul3A_73 = vector.broadcast %sub3A : vector<1x512xf32> to vector<512x512xf32>
    %mul3A_74 = arith.mulf %mul3A_72, %mul3A_73 : vector<512x512xf32>
    %add3A_75 = arith.addf %add3A_71, %mul3A_74 : vector<512x512xf32>
    %mul3A_76 = vector.broadcast %slice3A_35 : vector<1x512xf32> to vector<512x512xf32>
    %mul3A_77 = arith.mulf %add3A_75, %mul3A_76 : vector<512x512xf32>
    %add3A_78 = vector.broadcast %slice3A_36 : vector<1x512xf32> to vector<512x512xf32>
    %add3A_79 = arith.addf %mul3A_77, %add3A_78 : vector<512x512xf32>
    %swap3A_80 = arith.constant 1 : index
    %swap3A_81 = arith.constant 0 : index
    %swap3A_82 = arith.constant 0 : index
    %swap3A_83 = vector.load %arg7[%swap3A_80, %swap3A_81, %swap3A_82] : memref<4x512x512xf32, #tpu.memory_space<vmem>>, vector<1x512x512xf32>
    %swap3A_84 = vector.shape_cast %swap3A_83 : vector<1x512x512xf32> to vector<512x512xf32>
    %swap3A_85 = vector.shape_cast %add3A_79 : vector<512x512xf32> to vector<1x512x512xf32>
    tpu.vector_store %arg7[%swap3A_80, %swap3A_81, %swap3A_82], %swap3A_85 {strides = array<i32>} : memref<4x512x512xf32, #tpu.memory_space<vmem>>, vector<1x512x512xf32>,
    %slice3A_86 = vector.extract_strided_slice %transpose3A {offsets = [0, 2], sizes = [512, 1], strides = [1, 1]} : vector<512x4xf32> to vector<512x1xf32>
    %slice3A_87 = vector.extract_strided_slice %reshape3A_44 {offsets = [2, 0, 0], sizes = [1, 512, 512], strides = [1, 1, 1]} : vector<4x512x512xf32> to vector<1x512x512xf32>
    %squeeze3A_88 = vector.shape_cast %slice3A_87 : vector<1x512x512xf32> to vector<512x512xf32>
    %add3A_89 = arith.addf %squeeze3A_88, %get3A_47 : vector<512x512xf32>
    %mul3A_90 = vector.broadcast %slice3A_86 : vector<512x1xf32> to vector<512x512xf32>
    %mul3A_91 = vector.broadcast %sub3A : vector<1x512xf32> to vector<512x512xf32>
    %mul3A_92 = arith.mulf %mul3A_90, %mul3A_91 : vector<512x512xf32>
    %add3A_93 = arith.addf %add3A_89, %mul3A_92 : vector<512x512xf32>
    %mul3A_94 = vector.broadcast %slice3A_35 : vector<1x512xf32> to vector<512x512xf32>
    %mul3A_95 = arith.mulf %add3A_93, %mul3A_94 : vector<512x512xf32>
    %add3A_96 = vector.broadcast %slice3A_36 : vector<1x512xf32> to vector<512x512xf32>
    %add3A_97 = arith.addf %mul3A_95, %add3A_96 : vector<512x512xf32>
    %swap3A_98 = arith.constant 2 : index
    %swap3A_99 = arith.constant 0 : index
    %swap3A_100 = arith.constant 0 : index
    %swap3A_101 = vector.load %arg7[%swap3A_98, %swap3A_99, %swap3A_100] : memref<4x512x512xf32, #tpu.memory_space<vmem>>, vector<1x512x512xf32>
    %swap3A_102 = vector.shape_cast %swap3A_101 : vector<1x512x512xf32> to vector<512x512xf32>
    %swap3A_103 = vector.shape_cast %add3A_97 : vector<512x512xf32> to vector<1x512x512xf32>
    tpu.vector_store %arg7[%swap3A_98, %swap3A_99, %swap3A_100], %swap3A_103 {strides = array<i32>} : memref<4x512x512xf32, #tpu.memory_space<vmem>>, vector<1x512x512xf32>,
    %slice3A_104 = vector.extract_strided_slice %transpose3A {offsets = [0, 3], sizes = [512, 1], strides = [1, 1]} : vector<512x4xf32> to vector<512x1xf32>
    %slice3A_105 = vector.extract_strided_slice %reshape3A_44 {offsets = [3, 0, 0], sizes = [1, 512, 512], strides = [1, 1, 1]} : vector<4x512x512xf32> to vector<1x512x512xf32>
    %squeeze3A_106 = vector.shape_cast %slice3A_105 : vector<1x512x512xf32> to vector<512x512xf32>
    %add3A_107 = arith.addf %squeeze3A_106, %get3A_47 : vector<512x512xf32>
    %mul3A_108 = vector.broadcast %slice3A_104 : vector<512x1xf32> to vector<512x512xf32>
    %mul3A_109 = vector.broadcast %sub3A : vector<1x512xf32> to vector<512x512xf32>
    %mul3A_110 = arith.mulf %mul3A_108, %mul3A_109 : vector<512x512xf32>
    %add3A_111 = arith.addf %add3A_107, %mul3A_110 : vector<512x512xf32>
    %mul3A_112 = vector.broadcast %slice3A_35 : vector<1x512xf32> to vector<512x512xf32>
    %mul3A_113 = arith.mulf %add3A_111, %mul3A_112 : vector<512x512xf32>
    %add3A_114 = vector.broadcast %slice3A_36 : vector<1x512xf32> to vector<512x512xf32>
    %add3A_115 = arith.addf %mul3A_113, %add3A_114 : vector<512x512xf32>
    %swap3A_116 = arith.constant 3 : index
    %swap3A_117 = arith.constant 0 : index
    %swap3A_118 = arith.constant 0 : index
    %swap3A_119 = vector.load %arg7[%swap3A_116, %swap3A_117, %swap3A_118] : memref<4x512x512xf32, #tpu.memory_space<vmem>>, vector<1x512x512xf32>
    %swap3A_120 = vector.shape_cast %swap3A_119 : vector<1x512x512xf32> to vector<512x512xf32>
    %swap3A_121 = vector.shape_cast %add3A_115 : vector<512x512xf32> to vector<1x512x512xf32>
    tpu.vector_store %arg7[%swap3A_116, %swap3A_117, %swap3A_118], %swap3A_121 {strides = array<i32>} : memref<4x512x512xf32, #tpu.memory_space<vmem>>, vector<1x512x512xf32>,
    return
  }
  func.func @transform_0(%arg0: i32) -> (i32, i32, i32) {
    %c0_i32 = arith.constant 0 : i32
    %c0_i32_0 = arith.constant 0 : i32
    %c0_i32_1 = arith.constant 0 : i32
    return %arg0, %c0_i32, %c0_i32_0 : i32, i32, i32
  }
  func.func @transform_1(%arg0: i32) -> (i32, i32, i32) {
    %c0_i32 = arith.constant 0 : i32
    %c0_i32_0 = arith.constant 0 : i32
    %c0_i32_1 = arith.constant 0 : i32
    return %arg0, %c0_i32, %c0_i32_0 : i32, i32, i32
  }
  func.func @transform_2(%arg0: i32) -> (i32, i32) {
    %c0_i32 = arith.constant 0 : i32
    %c0_i32_0 = arith.constant 0 : i32
    %c0_i32_1 = arith.constant 0 : i32
    return %c0_i32, %c0_i32_0 : i32, i32
  }
  func.func @transform_3(%arg0: i32) -> (i32, i32) {
    %c0_i32 = arith.constant 0 : i32
    %c0_i32_0 = arith.constant 0 : i32
    %c0_i32_1 = arith.constant 0 : i32
    return %c0_i32, %c0_i32_0 : i32, i32
  }
  func.func @transform_4(%arg0: i32) -> (i32, i32) {
    %c0_i32 = arith.constant 0 : i32
    %c0_i32_0 = arith.constant 0 : i32
    %c0_i32_1 = arith.constant 0 : i32
    return %c0_i32, %c0_i32_0 : i32, i32
  }
  func.func @transform_6(%arg0: i32) -> (i32, i32, i32) {
    %add3A = arith.constant 20 : i32
    %add3A_0 = arith.addi %arg0, %add3A : i32
    %c0_i32 = arith.constant 0 : i32
    %c0_i32_1 = arith.constant 0 : i32
    %c0_i32_2 = arith.constant 0 : i32
    return %add3A_0, %c0_i32, %c0_i32_1 : i32, i32, i32
  }
}

</mosaic_0001>

<sc_bundles>
// kernel: kernel.11.cloned.1.call-start
scs
__scs_entry_jumppad:
0x0: {  	(pc) =	sbr.rel $0x88, $3  }
0x1: {  	(tag) =	ssettag $0x0;
	lr =	simm.s32 $0x1  }
0x2: {  	[smem:$0x3F98] =	sst lr;
	_ =	strace $0xD0000000  }
0x3: {  	_ = 	snop  }
0x4: {  	_ = 	snop  }
0x5: {  	_ = 	snop  }
0x6: {  	_ = 	snop  }
0x7: {  	_ = 	snop  }
__scs_overlays_trampoline_lowered:
0x8: {  	[smem:$0x3FA7] =	sst s0  }
0x9: {  	[smem:$0x3FA8] =	sst s1  }
0xa: {  	[smem:$0x3FA9] =	sst s2  }
0xb: {  	[smem:$0x3FAA] =	sst s3  }
0xc: {  	[smem:$0x3FAB] =	sst s4  }
0xd: {  	[smem:$0x3FAC] =	sst s5  }
0xe: {  	[smem:$0x3FAD] =	sst s6  }
0xf: {  	[smem:$0x3FAE] =	sst s7  }
0x10: {  	[smem:$0x3FAF] =	sst s8  }
0x11: {  	[smem:$0x3FB0] =	sst s9;
	s0 =	simm.s32 @!p0 $0x0  }
0x12: {  	s1 =	sld [smem:$0x3F96];
	s0 =	simm.s32 @p0 $0x1  }
0x13: {  	[smem:$0x3FB1] =	sst s0;
	s0 =	simm.s32 @!p1 $0x0  }
0x14: {  	s2 =	sld [smem:$0x3F95];
	s0 =	simm.s32 @p1 $0x1  }
0x15: {  	[smem:$0x3FB2] =	sst s0;
	s0 =	simm.s32 @!p2 $0x0  }
0x16: {  	s3 =	sld [smem:$0x3FDB];
	s0 =	simm.s32 @p2 $0x1  }
0x17: {  	s4 =	simm.s32 $0x1BF5;
	[smem:$0x3FB4] =	sst s0  }
0x18: {  	s0 =	sld [smem:$0x3F97];
	_ =	swait.ge [sflag:s4], $0x0  }
0x19: {  	s7 =	sld [smem:$0x3F98]  }
0x1a: {  	s8 =	sadd.s32 $0xFFFFE003, lr  }
0x1b: {  	s9 =	sadd.s32 $0xFFFFFEF7, lr;
	s5 =	simm.s32 $0xFFFFFFFF;
	p2 =	slt.u32 s8, $0xFFFFF086  }
0x1c: {  	p1 =	slt.u32 s9, $0xF7A;
	s5 =	simm.s32 @!p2 $0x0  }
0x1d: {  	s5 =	simm.s32 @p1 $0x1;
	p0 =	seq.s32 s7, s2  }
0x1e: {  	s7 =	smul.u32 @!p0 $0xF7A, s2;
	p2 =	seq.s32 @!p0 s5, $0x0  }
0x1f: {  	s9 =	smul.u32 $0xF7A, s1;
	s8 =	simm.s32 @!p0 $0x1BF5;
	p2 =	por !p2, p0  }
0x20: {  	[sflag:s8] =	ssyncset.s32 @!p0 $0xFFFFF086;
	s6 =	sadd.s32 @!p0 s3, s7;
	s7 =	simm.s32 @!p0 $0x108  }
0x21: {  	s3 =	sadd.s32 s3, s9;
	s6 =	sadd.s32 @!p0 $0x88, s6;
	s7 =	simm.s32 @p2 $0x1082  }
0x22: {  	[simem:s7], [sflag:s8] =	dma.local @!p0 [hbm:s6], $0xF7A  }
0x23: {  	s9 =	sor.u32 $0xD0000000, s2;
	s6 =	simm.s32 $0x108;
	_ =	swait.ge @!p0 [sflag:s8], $0x0  }
0x24: {  	s3 =	sadd.s32 $0x88, s3;
	s6 =	simm.s32 @!p1 $0x1082;
	[sflag:s4] =	ssyncset.s32 $0xFFFFF086  }
0x25: {  	[simem:s6], [sflag:s4] =	dma.local [hbm:s3], $0xF7A  }
0x26: {  	[smem:$0x3F98] =	sst s1;
	(tag) =	ssettag s2;
	_ =	strace s9  }
0x27: {  	s1 =	sld [smem:$0x3FA8]  }
0x28: {  	s2 =	sld [smem:$0x3FA9]  }
0x29: {  	s4 =	sld [smem:$0x3FAB]  }
0x2a: {  	p0 =	seq.s32 s5, $0x0;
	s5 =	sld [smem:$0x3FAC]  }
0x2b: {  	s6 =	sld [smem:$0x3FAD]  }
0x2c: {  	s7 =	sld [smem:$0x3FAE]  }
0x2d: {  	s3 =	simm.s32 $0x108;
	s8 =	sld [smem:$0x3FAF]  }
0x2e: {  	s3 =	simm.s32 @!p0 $0x1082;
	s9 =	sld [smem:$0x3FB0]  }
0x2f: {  	lr =	sadd.s32 s0, s3;
	s0 =	sld [smem:$0x3FA7]  }
0x30: {  	s3 =	sld [smem:$0x3FAA]  }
0x31: {  	[smem:$0x3FB3] =	sst s10  }
0x32: {  	s10 =	sld [smem:$0x3FB1];
	_ =	sdelay $0x3  }
0x33: {  	p0 =	seq.s32 s10, $0x1;
	s10 =	sld [smem:$0x3FB3];
	_ =	sdelay $0x3  }
0x34: {  	[smem:$0x3FB3] =	sst s10  }
0x35: {  	s10 =	sld [smem:$0x3FB2];
	_ =	sdelay $0x3  }
0x36: {  	p1 =	seq.s32 s10, $0x1;
	s10 =	sld [smem:$0x3FB3];
	_ =	sdelay $0x3  }
0x37: {  	[smem:$0x3FB3] =	sst s10  }
0x38: {  	s10 =	sld [smem:$0x3FB4]  }
0x39: {  	_ = 	snop;
	(pc) =	sbr.ind lr, $3  }
0x3a: {  	_ = 	snop  }
0x3b: {  	_ = 	snop  }
0x3c: {  	p2 =	seq.s32 s10, $0x1;
	s10 =	sld [smem:$0x3FB3]  }
0x3d: {  	_ =	shalt  }
0x3e: {  	_ =	shalt  }
0x3f: {  	_ =	shalt  }
0x40: {  	_ =	shalt  }
0x41: {  	_ =	shalt  }
0x42: {  	_ =	shalt  }
0x43: {  	_ =	shalt  }
0x44: {  	_ =	shalt  }
0x45: {  	_ =	shalt  }
0x46: {  	_ =	shalt  }
0x47: {  	_ =	shalt  }
0x48: {  	_ =	shalt  }
0x49: {  	_ =	shalt  }
0x4a: {  	_ =	shalt  }
0x4b: {  	_ =	shalt  }
0x4c: {  	_ =	shalt  }
0x4d: {  	_ =	shalt  }
0x4e: {  	_ =	shalt  }
0x4f: {  	_ =	shalt  }
0x50: {  	_ =	shalt  }
0x51: {  	_ =	shalt  }
0x52: {  	_ =	shalt  }
0x53: {  	_ =	shalt  }
0x54: {  	_ =	shalt  }
0x55: {  	_ =	shalt  }
0x56: {  	_ =	shalt  }
0x57: {  	_ =	shalt  }
0x58: {  	_ =	shalt  }
0x59: {  	_ =	shalt  }
0x5a: {  	_ =	shalt  }
0x5b: {  	_ =	shalt  }
0x5c: {  	_ =	shalt  }
0x5d: {  	_ =	shalt  }
0x5e: {  	_ =	shalt  }
0x5f: {  	_ =	shalt  }
0x60: {  	_ =	shalt  }
0x61: {  	_ =	shalt  }
0x62: {  	_ =	shalt  }
0x63: {  	_ =	shalt  }
0x64: {  	_ =	shalt  }
0x65: {  	_ =	shalt  }
0x66: {  	_ =	shalt  }
0x67: {  	_ =	shalt  }
0x68: {  	_ =	shalt  }
0x69: {  	_ =	shalt  }
0x6a: {  	_ =	shalt  }
0x6b: {  	_ =	shalt  }
0x6c: {  	_ =	shalt  }
0x6d: {  	_ =	shalt  }
0x6e: {  	_ =	shalt  }
0x6f: {  	_ =	shalt  }
0x70: {  	_ =	shalt  }
0x71: {  	_ =	shalt  }
0x72: {  	_ =	shalt  }
0x73: {  	_ =	shalt  }
0x74: {  	_ =	shalt  }
0x75: {  	_ =	shalt  }
0x76: {  	_ =	shalt  }
0x77: {  	_ =	shalt  }
0x78: {  	_ =	shalt  }
0x79: {  	_ =	shalt  }
0x7a: {  	_ =	shalt  }
0x7b: {  	_ =	shalt  }
0x7c: {  	_ =	shalt  }
0x7d: {  	_ =	shalt  }
0x7e: {  	_ =	shalt  }
0x7f: {  	_ =	shalt  }
0x80: {  	_ =	shalt  }
0x81: {  	_ =	shalt  }
0x82: {  	_ =	shalt  }
0x83: {  	_ =	shalt  }
0x84: {  	_ =	shalt  }
0x85: {  	_ =	shalt  }
0x86: {  	_ =	shalt  }
0x87: {  	_ =	shalt  }
.Lfunc_end0:
.L_simem_size_0:
called_computation.1_lowered:
.L_overlay_start_0:
0x88: {  	s2 =	sld [smem:$0x3FD9]  }
0x89: {  	s3 =	sld [smem:$0x3FFE];
	_ =	sdelay $0x1  }
0x8a: {  	s1 =	srdreg.scid  }
0x8b: {  	s0 =	sand.u32 $0x1, s1  }
0x8c: {  	s17 =	sshll.u32 s0, $0xA;
	s2 =	sadd.s32 s3, s2  }
0x8d: {  	s2 =	sadd.s32 s2, s17  }
0x8e: {  	[smem:$0x3FBF] =	sst s2  }
0x8f: {  	_ = 	snop  }
0x90: {  	s18 =	sld [smem:$0x3FC7];
	(tm) =	ssettm $0x1  }
0x91: {  	s19 =	sld [smem:$0x3FFB];
	_ =	sdelay $0x3  }
0x92: {  	_ =	strace s19  }
0x93: {  	s2 =	sld [smem:$0x3FFC];
	_ =	sdelay $0x3  }
0x94: {  	_ =	strace s2  }
0x95: {  	s2 =	sld [smem:$0x3FFD];
	_ =	sdelay $0x3  }
0x96: {  	_ =	strace s2  }
0x97: {  	_ =	strace $0x8FFFFFFF  }
0x98: {  	s20 =	sld [smem:$0x3FDB];
	_ =	sdelay $0x1  }
0x99: {  	s4 =	simm.s32 $_scs_section_size  }
0x9a: {  	s5 =	simm.s32 $_size__tile_overlayer_lowered;
	s6 =	simm.s32 $_tile_overlayer_lowered  }
0x9b: {  	s7 =	simm.s32 $0x1BFF;
	s21 =	sshll.u32 s6, $0x1;
	s4 =	sadd.s32 s4, s20  }
0x9c: {  	s22 =	simm.s32 $0x0;
	s5 =	sshll.u32 s5, $0x1;
	s6 =	sadd.s32 s21, s4  }
0x9d: {  	[timem:s22], [sflag:s7] =	dma.local [hbm:s6], s5  }
0x9e: {  	_ =	swait.ge [sflag:s7], s5  }
0x9f: {  	s5 =	ssub.s32 $0x0, s5;
	[sflag:s7] =	ssyncset.done $0x0  }
0xa0: {  	[sflag:s7] =	ssyncadd.s32 s5;
	_ =	sdelay $0x1  }
0xa1: {  	s23 =	simm.s32 $0x1B8B  }
0xa2: {  	_ =	swait.ge [sflag:s23], $0x1  }
0xa3: {  	[sflag:s23] =	ssyncset.done $0x0  }
0xa4: {  	[sflag:s23] =	ssyncadd.s32 $0xFFFFFFFF  }
0xa5: {  	s5 =	sld [smem:$0x0]  }
0xa6: {  	s6 =	sand.u32 $0xFFFFFFFE, s1  }
0xa7: {  	p0 =	sne.s32 s1, s6  }
0xa8: {  	s6 =	sshll.u32 @p0 s6, $0xE  }
0xa9: {  	s6 =	sadd.s32 @p0 $0x11B8D, s6;
	s7 =	sshll.u32 @p0 s5, $0x11  }
0xaa: {  	s6 =	sor.u32 @p0 s7, s6  }
0xab: {  	[sflag:s6] =	ssyncadd.remote.s32 @p0 $0x1;
	_ =	sdelay $0x1  }
0xac: {  	s6 =	simm.s32 @p0 $0x1B8D  }
0xad: {  	_ =	swait.eq @p0 [sflag:s6], $0x1  }
0xae: {  	[sflag:s6] =	ssyncadd.s32 @p0 $0xFFFFFFFF  }
0xaf: {  	s7 =	sshll.u32 @!p0 s1, $0xE  }
0xb0: {  	s7 =	sor.u32 @!p0 $0x4000, s7;
	s6 =	simm.s32 @!p0 $0x1B8D  }
0xb1: {  	s5 =	sshll.u32 @!p0 s5, $0x11;
	s7 =	sadd.s32 @!p0 $0x11B8D, s7;
	_ =	swait.eq @!p0 [sflag:s6], $0x1  }
0xb2: {  	s5 =	sor.u32 @!p0 s5, s7;
	[sflag:s6] =	ssyncadd.s32 @!p0 $0xFFFFFFFF  }
0xb3: {  	s25 =	simm.s32 $0x1B8E;
	s24 =	sld [smem:$0x3FFE];
	[sflag:s5] =	ssyncadd.remote.s32 @!p0 $0x1  }
0xb4: {  	s26 =	simm.s32 $execute0_lowered;
	[smem:$0x3FD2] =	sst s25  }
0xb5: {  	s6 =	sshll.u32 s26, $0x1;
	_ =	strace $0x80000049;
	[dreg:$0x1] =	wrdreg $0xFFFFFFFF  }
0xb6: {  	s28 =	simm.s32 $_size_execute0_lowered;
	s4 =	sadd.s32 s4, s6;
	[dreg:$0x0] =	wrdreg $0x0  }
0xb7: {  	s6 =	sshll.u32 s28, $0x1;
	[dreg:$0x2] =	wrdreg s4  }
0xb8: {  	[dreg:$0x3] =	wrdreg s6  }
0xb9: {  	[dreg:$0x4] =	wrdreg $0xC0  }
0xba: {  	_ =	task [dreg:s22], $0x5FFFF  }
0xbb: {  	[dreg:$0x1] =	wrdreg $0xFFFFFFFF  }
0xbc: {  	[dreg:$0x0] =	wrdreg $0x60  }
0xbd: {  	[dreg:$0x2] =	wrdreg s18  }
0xbe: {  	[dreg:$0x3] =	wrdreg s24  }
0xbf: {  	[dreg:$0x4] =	wrdreg $0xA  }
0xc0: {  	_ =	task.clear_ibuf [dreg:s22], $0x5FFFF;
	_ =	strace $0x90000049  }
0xc1: {  	s29 =	simm.s32 $0xA;
	_ =	strace $0x8000004B  }
0xc2: {  	_ =	swait.ge [sflag:s29], $0x1  }
0xc3: {  	[sflag:s29] =	ssyncadd.s32 $0xFFFFFFFF  }
0xc4: {  	_ =	strace $0x9000004B  }
0xc5: {  	_ =	sfence  }
0xc6: {  	s30 =	sld [smem:$0x0];
	_ =	sdelay $0x2  }
0xc7: {  	s31 =	sshll.u32 s1, $0xD;
	s1 =	sshrl.u32 s1, $0x2  }
0xc8: {  	s4 =	sand.u32 $0x4000, s31;
	s1 =	sadd.s32 s1, s30  }
0xc9: {  	s0 =	sor.u32 s4, s0;
	s1 =	sshll.u32 s1, $0x11  }
0xca: {  	s0 =	sor.u32 s1, s0  }
0xcb: {  	s0 =	sadd.s32 $0x8F2B, s0  }
0xcc: {  	[sflag:s0] =	ssyncadd.remote.s32 $0x1  }
0xcd: {  	_ =	sfence.sel $0xFFFF  }
0xce: {  	[dreg:$0x0] =	wrdreg $0xFFFFFFFF;
	(pc) =	sbr.abs _section_cstart, $3  }
0xcf: {  	[dreg:$0x1] =	wrdreg $0xFFFFFFFF  }
0xd0: {  	_ =	task.clear_ibuf [dreg:s22], $0x2FFFF;
	_ =	strace $0x9FFFFFFF  }
0xd1: {  	(tm) =	ssettm $0x7FFFFFFF  }
tec
execute0_lowered:
.L_overlay_start_1:
0x0: {  	(tag) =	ssettag $0x1  }
0x1: {  	s1 =	srdreg.scid;
	s0 =	stileid.u32  }
0x2: {  	s14 =	sand.u32 $0x1, s1;
	s30 =	sshll.u32 s0, $0x1  }
0x3: {  	s11 =	sor.u32 s14, s30  }
0x4: {  	s2 =	rddreg [dreg:$0x0];
	s4 =	smul.u32 $0x300, s11  }
0x5: {  	s10 =	rddreg [dreg:$0x1]  }
0x6: {  	s3 =	simm.s32 $0x0;
	s1 =	rddreg [dreg:$0x2];
	s4 =	sshrl.u32 s4, $0x3  }
0x7: {  	[smem:$0x7FF] =	sst s3;
	s4 =	sadd.s32 s10, s4  }
0x8: {  	_ =	strace $0x8000004A;
	s5 =	sadd.s32 $0x2E00, s4;
	s4 =	simm.s32 $0x3  }
0x9: {  	[tilespmem:s3], [sflag:$0x3] =	stream.linear.gather [hbm4b:s5+s3], $0x300, $0x38;
	[tilespmem:$0x10300] =	vst v63  }
0xa: {  	_ =	swait.ge [sflag:s4], $0x300  }
0xb: {  	[sflag:s4] =	ssyncset.done $0x0  }
0xc: {  	s6 =	simm.s32 $0x100;
	s7 =	simm.s32 $0x300;
	[sflag:s4] =	ssyncadd.s32 $0xFFFFFD00  }
0xd: {  	[tilespmem:s7], [sflag:$0x1] =	stream.indirect.gather [hbm4b:s2+s6], $0x80, s3, s6, $0xb8;
	[tilespmem:$0x10300] =	vst v63  }
0xe: {  	s8 =	simm.s32 $0x8300;
	s9 =	simm.s32 $0x1  }
0xf: {  	[tilespmem:s8], [sflag:$0x2] =	stream.indirect.gather [hbm4b:s2+s6], $0x80, s6, s6, $0xb8;
	[tilespmem:$0x10300] =	vst v63  }
0x10: {  	s12 =	smul.u32 $0x3000, s11;
	_ =	swait.ge [sflag:s9], $0x8000  }
0x11: {  	s13 =	sadd.s32 $0x4600, s10;
	[sflag:s9] =	ssyncset.done $0x0  }
0x12: {  	s10 =	sadd.s32 s13, s12;
	[sflag:s9] =	ssyncadd.s32 $0xFFFF8000  }
0x13: {  	[hbm4b:s10+s3] =	stream.linear.scatter [tilespmem:s7], [sflag:$0x3], $0x8000, $0x38;
	[tilespmem:$0x10300] =	vst v63  }
0x14: {  	_ =	swait.ge [sflag:s4], $0x8000  }
0x15: {  	s15 =	smul.u32 $0x18000, s11;
	[sflag:s4] =	ssyncset.done $0x0  }
0x16: {  	s11 =	simm.s32 $0x200;
	s12 =	simm.s32 $0x2;
	[sflag:s4] =	ssyncadd.s32 $0xFFFF8000  }
0x17: {  	[tilespmem:s7], [sflag:$0x1] =	stream.indirect.gather [hbm4b:s2+s6], $0x80, s11, s6, $0xb8;
	[tilespmem:$0x10300] =	vst v63  }
0x18: {  	s15 =	sshrl.u32 s15, $0x3;
	_ =	swait.ge [sflag:s12], $0x8000  }
0x19: {  	s15 =	sadd.s32 s13, s15;
	[sflag:s12] =	ssyncset.done $0x0  }
0x1a: {  	s14 =	ssub.s32 $0x2, s14;
	s13 =	sadd.s32 $0x1000, s15;
	[sflag:s12] =	ssyncadd.s32 $0xFFFF8000  }
0x1b: {  	[hbm4b:s13+s3] =	stream.linear.scatter [tilespmem:s8], [sflag:$0x3], $0x8000, $0x38;
	[tilespmem:$0x10300] =	vst v63  }
0x1c: {  	s16 =	sshrl.u32 s14, $0x1;
	_ =	swait.ge [sflag:s4], $0x8000  }
0x1d: {  	s16 =	ssub.s32 s14, s16;
	[sflag:s4] =	ssyncset.done $0x0  }
0x1e: {  	s31 =	smax.u32 s16, $0x1;
	[sflag:s4] =	ssyncadd.s32 $0xFFFF8000  }
0x1f: {  	p0 =	sne.s32 s31, $0x1;
	_ =	swait.ge [sflag:s9], $0x8000  }
.Ltmp0:
0x20: {  	[sflag:s9] =	ssyncset.done $0x0;
	(pc) =	sbr.rel @!p0 .LBB2_2-.Ltmp0, $4  }
0x21: {  	s14 =	sadd.s32 $0x2000, s15;
	[sflag:s9] =	ssyncadd.s32 $0xFFFF8000  }
0x22: {  	[hbm4b:s14+s3] =	stream.linear.scatter [tilespmem:s7], [sflag:$0x3], $0x8000, $0x38;
	[tilespmem:$0x10300] =	vst v63  }
0x23: {  	_ =	swait.ge [sflag:s4], $0x8000  }
0x24: {  	s15 =	sadd.s32 $0xFFFFFFFF, s31;
	[sflag:s4] =	ssyncset.done $0x0  }
.LBB2_1:
0x25: {  	p0 =	sne.s32 s15, $0x1;
	s15 =	sadd.s32 $0xFFFFFFFF, s15;
	[sflag:s4] =	ssyncadd.s32 $0xFFFF8000  }
0x26: {  	[tilespmem:s3], [sflag:$0x3] =	stream.linear.gather [hbm4b:s5+s3], $0x300, $0x38;
	[tilespmem:$0x10300] =	vst v63  }
0x27: {  	_ =	swait.ge [sflag:s4], $0x300  }
0x28: {  	[sflag:s4] =	ssyncset.done $0x0  }
0x29: {  	[sflag:s4] =	ssyncadd.s32 $0xFFFFFD00  }
0x2a: {  	[tilespmem:s7], [sflag:$0x1] =	stream.indirect.gather [hbm4b:s2+s6], $0x80, s3, s6, $0xb8;
	[tilespmem:$0x10300] =	vst v63  }
0x2b: {  	_ = 	snop  }
0x2c: {  	[tilespmem:s8], [sflag:$0x2] =	stream.indirect.gather [hbm4b:s2+s6], $0x80, s6, s6, $0xb8;
	[tilespmem:$0x10300] =	vst v63  }
0x2d: {  	_ =	swait.ge [sflag:s9], $0x8000  }
0x2e: {  	[sflag:s9] =	ssyncset.done $0x0  }
0x2f: {  	[sflag:s9] =	ssyncadd.s32 $0xFFFF8000  }
0x30: {  	[hbm4b:s10+s3] =	stream.linear.scatter [tilespmem:s7], [sflag:$0x3], $0x8000, $0x38;
	[tilespmem:$0x10300] =	vst v63  }
0x31: {  	_ =	swait.ge [sflag:s4], $0x8000  }
0x32: {  	[sflag:s4] =	ssyncset.done $0x0  }
0x33: {  	[sflag:s4] =	ssyncadd.s32 $0xFFFF8000  }
0x34: {  	[tilespmem:s7], [sflag:$0x1] =	stream.indirect.gather [hbm4b:s2+s6], $0x80, s11, s6, $0xb8;
	[tilespmem:$0x10300] =	vst v63  }
0x35: {  	_ =	swait.ge [sflag:s12], $0x8000  }
0x36: {  	[sflag:s12] =	ssyncset.done $0x0  }
0x37: {  	[sflag:s12] =	ssyncadd.s32 $0xFFFF8000  }
0x38: {  	[hbm4b:s13+s3] =	stream.linear.scatter [tilespmem:s8], [sflag:$0x3], $0x8000, $0x38;
	[tilespmem:$0x10300] =	vst v63  }
0x39: {  	_ =	swait.ge [sflag:s4], $0x8000  }
0x3a: {  	[sflag:s4] =	ssyncset.done $0x0  }
0x3b: {  	[sflag:s4] =	ssyncadd.s32 $0xFFFF8000  }
0x3c: {  	_ =	swait.ge [sflag:s9], $0x8000  }
.Ltmp1:
0x3d: {  	[sflag:s9] =	ssyncset.done $0x0;
	(pc) =	sbr.rel @p0 .LBB2_1-.Ltmp1, $4  }
0x3e: {  	[sflag:s9] =	ssyncadd.s32 $0xFFFF8000  }
0x3f: {  	[hbm4b:s14+s3] =	stream.linear.scatter [tilespmem:s7], [sflag:$0x3], $0x8000, $0x38;
	[tilespmem:$0x10300] =	vst v63  }
0x40: {  	_ =	swait.ge [sflag:s4], $0x8000  }
0x41: {  	[sflag:s4] =	ssyncset.done $0x0  }
.LBB2_2:
0x42: {  	[sflag:s4] =	ssyncadd.s32 $0xFFFF8000  }
0x43: {  	_ =	sfence.sel $0x180000  }
0x44: {  	[bflag:$0x0] =	sbarrier.arrive $0xFFFF  }
0x45: {  	p0 =	sne.s32 s0, $0x0;
	_ =	strace $0x9000004A  }
0x46: {  	s0 =	sadd.s32 @!p0 $0x100000, s1;
	[bflag:$0x2] =	sbarrier.arrive $0xFFFF  }
0x47: {  	[sflag:s0] =	ssyncadd.tile.s32 @!p0 $0x1;
	_ =	shalt  }
.Lfunc_end2:
_tile_overlayer_lowered:
.L_overlay_start_2:
0x48: {  	(tag) =	ssettag $0x2  }
0x49: {  	s0 =	rddreg [dreg:$0x0];
	s2 =	stileid.u32  }
0x4a: {  	s1 =	rddreg [dreg:$0x1];
	p0 =	sne.s32 s2, $0x0  }
0x4b: {  	s3 =	rddreg [dreg:$0x2];
	[bflag:$0x3] =	sbarrier.arrive $0xFFFF;
	s2 =	simm.s32 @!p0 $0x1C03  }
0x4c: {  	[timem:s3], [sflag:s2] =	dma.local @!p0 [hbm:s0], s1  }
0x4d: {  	s0 =	simm.s32 @!p0 $0x3  }
0x4e: {  	_ =	swait.ge @!p0 [sflag:s0], s1  }
0x4f: {  	s1 =	ssub.s32 @!p0 $0x0, s1;
	[sflag:s0] =	ssyncset.done @!p0 $0x0  }
0x50: {  	[sflag:s0] =	ssyncadd.s32 @!p0 s1  }
0x51: {  	[bflag:$0x3] =	sbarrier.arrive $0xFFFF  }
0x52: {  	_ =	shalt  }

// kernel: kernel.14.cloned.1.call-start
scs
__scs_entry_jumppad:
0x0: {  	(pc) =	sbr.rel $0x88, $3  }
0x1: {  	(tag) =	ssettag $0x0;
	lr =	simm.s32 $0x1  }
0x2: {  	[smem:$0x3F98] =	sst lr;
	_ =	strace $0xD0000000  }
0x3: {  	_ = 	snop  }
0x4: {  	_ = 	snop  }
0x5: {  	_ = 	snop  }
0x6: {  	_ = 	snop  }
0x7: {  	_ = 	snop  }
__scs_overlays_trampoline_lowered:
0x8: {  	[smem:$0x3FA7] =	sst s0  }
0x9: {  	[smem:$0x3FA8] =	sst s1  }
0xa: {  	[smem:$0x3FA9] =	sst s2  }
0xb: {  	[smem:$0x3FAA] =	sst s3  }
0xc: {  	[smem:$0x3FAB] =	sst s4  }
0xd: {  	[smem:$0x3FAC] =	sst s5  }
0xe: {  	[smem:$0x3FAD] =	sst s6  }
0xf: {  	[smem:$0x3FAE] =	sst s7  }
0x10: {  	[smem:$0x3FAF] =	sst s8  }
0x11: {  	[smem:$0x3FB0] =	sst s9;
	s0 =	simm.s32 @!p0 $0x0  }
0x12: {  	s1 =	sld [smem:$0x3F96];
	s0 =	simm.s32 @p0 $0x1  }
0x13: {  	[smem:$0x3FB1] =	sst s0;
	s0 =	simm.s32 @!p1 $0x0  }
0x14: {  	s2 =	sld [smem:$0x3F95];
	s0 =	simm.s32 @p1 $0x1  }
0x15: {  	[smem:$0x3FB2] =	sst s0;
	s0 =	simm.s32 @!p2 $0x0  }
0x16: {  	s3 =	sld [smem:$0x3FDB];
	s0 =	simm.s32 @p2 $0x1  }
0x17: {  	s4 =	simm.s32 $0x1BF5;
	[smem:$0x3FB4] =	sst s0  }
0x18: {  	s0 =	sld [smem:$0x3F97];
	_ =	swait.ge [sflag:s4], $0x0  }
0x19: {  	s7 =	sld [smem:$0x3F98]  }
0x1a: {  	s8 =	sadd.s32 $0xFFFFE003, lr  }
0x1b: {  	s9 =	sadd.s32 $0xFFFFFEF7, lr;
	s5 =	simm.s32 $0xFFFFFFFF;
	p2 =	slt.u32 s8, $0xFFFFF086  }
0x1c: {  	p1 =	slt.u32 s9, $0xF7A;
	s5 =	simm.s32 @!p2 $0x0  }
0x1d: {  	s5 =	simm.s32 @p1 $0x1;
	p0 =	seq.s32 s7, s2  }
0x1e: {  	s7 =	smul.u32 @!p0 $0xF7A, s2;
	p2 =	seq.s32 @!p0 s5, $0x0  }
0x1f: {  	s9 =	smul.u32 $0xF7A, s1;
	s8 =	simm.s32 @!p0 $0x1BF5;
	p2 =	por !p2, p0  }
0x20: {  	[sflag:s8] =	ssyncset.s32 @!p0 $0xFFFFF086;
	s6 =	sadd.s32 @!p0 s3, s7;
	s7 =	simm.s32 @!p0 $0x108  }
0x21: {  	s3 =	sadd.s32 s3, s9;
	s6 =	sadd.s32 @!p0 $0x88, s6;
	s7 =	simm.s32 @p2 $0x1082  }
0x22: {  	[simem:s7], [sflag:s8] =	dma.local @!p0 [hbm:s6], $0xF7A  }
0x23: {  	s9 =	sor.u32 $0xD0000000, s2;
	s6 =	simm.s32 $0x108;
	_ =	swait.ge @!p0 [sflag:s8], $0x0  }
0x24: {  	s3 =	sadd.s32 $0x88, s3;
	s6 =	simm.s32 @!p1 $0x1082;
	[sflag:s4] =	ssyncset.s32 $0xFFFFF086  }
0x25: {  	[simem:s6], [sflag:s4] =	dma.local [hbm:s3], $0xF7A  }
0x26: {  	[smem:$0x3F98] =	sst s1;
	(tag) =	ssettag s2;
	_ =	strace s9  }
0x27: {  	s1 =	sld [smem:$0x3FA8]  }
0x28: {  	s2 =	sld [smem:$0x3FA9]  }
0x29: {  	s4 =	sld [smem:$0x3FAB]  }
0x2a: {  	p0 =	seq.s32 s5, $0x0;
	s5 =	sld [smem:$0x3FAC]  }
0x2b: {  	s6 =	sld [smem:$0x3FAD]  }
0x2c: {  	s7 =	sld [smem:$0x3FAE]  }
0x2d: {  	s3 =	simm.s32 $0x108;
	s8 =	sld [smem:$0x3FAF]  }
0x2e: {  	s3 =	simm.s32 @!p0 $0x1082;
	s9 =	sld [smem:$0x3FB0]  }
0x2f: {  	lr =	sadd.s32 s0, s3;
	s0 =	sld [smem:$0x3FA7]  }
0x30: {  	s3 =	sld [smem:$0x3FAA]  }
0x31: {  	[smem:$0x3FB3] =	sst s10  }
0x32: {  	s10 =	sld [smem:$0x3FB1];
	_ =	sdelay $0x3  }
0x33: {  	p0 =	seq.s32 s10, $0x1;
	s10 =	sld [smem:$0x3FB3];
	_ =	sdelay $0x3  }
0x34: {  	[smem:$0x3FB3] =	sst s10  }
0x35: {  	s10 =	sld [smem:$0x3FB2];
	_ =	sdelay $0x3  }
0x36: {  	p1 =	seq.s32 s10, $0x1;
	s10 =	sld [smem:$0x3FB3];
	_ =	sdelay $0x3  }
0x37: {  	[smem:$0x3FB3] =	sst s10  }
0x38: {  	s10 =	sld [smem:$0x3FB4]  }
0x39: {  	_ = 	snop;
	(pc) =	sbr.ind lr, $3  }
0x3a: {  	_ = 	snop  }
0x3b: {  	_ = 	snop  }
0x3c: {  	p2 =	seq.s32 s10, $0x1;
	s10 =	sld [smem:$0x3FB3]  }
0x3d: {  	_ =	shalt  }
0x3e: {  	_ =	shalt  }
0x3f: {  	_ =	shalt  }
0x40: {  	_ =	shalt  }
0x41: {  	_ =	shalt  }
0x42: {  	_ =	shalt  }
0x43: {  	_ =	shalt  }
0x44: {  	_ =	shalt  }
0x45: {  	_ =	shalt  }
0x46: {  	_ =	shalt  }
0x47: {  	_ =	shalt  }
0x48: {  	_ =	shalt  }
0x49: {  	_ =	shalt  }
0x4a: {  	_ =	shalt  }
0x4b: {  	_ =	shalt  }
0x4c: {  	_ =	shalt  }
0x4d: {  	_ =	shalt  }
0x4e: {  	_ =	shalt  }
0x4f: {  	_ =	shalt  }
0x50: {  	_ =	shalt  }
0x51: {  	_ =	shalt  }
0x52: {  	_ =	shalt  }
0x53: {  	_ =	shalt  }
0x54: {  	_ =	shalt  }
0x55: {  	_ =	shalt  }
0x56: {  	_ =	shalt  }
0x57: {  	_ =	shalt  }
0x58: {  	_ =	shalt  }
0x59: {  	_ =	shalt  }
0x5a: {  	_ =	shalt  }
0x5b: {  	_ =	shalt  }
0x5c: {  	_ =	shalt  }
0x5d: {  	_ =	shalt  }
0x5e: {  	_ =	shalt  }
0x5f: {  	_ =	shalt  }
0x60: {  	_ =	shalt  }
0x61: {  	_ =	shalt  }
0x62: {  	_ =	shalt  }
0x63: {  	_ =	shalt  }
0x64: {  	_ =	shalt  }
0x65: {  	_ =	shalt  }
0x66: {  	_ =	shalt  }
0x67: {  	_ =	shalt  }
0x68: {  	_ =	shalt  }
0x69: {  	_ =	shalt  }
0x6a: {  	_ =	shalt  }
0x6b: {  	_ =	shalt  }
0x6c: {  	_ =	shalt  }
0x6d: {  	_ =	shalt  }
0x6e: {  	_ =	shalt  }
0x6f: {  	_ =	shalt  }
0x70: {  	_ =	shalt  }
0x71: {  	_ =	shalt  }
0x72: {  	_ =	shalt  }
0x73: {  	_ =	shalt  }
0x74: {  	_ =	shalt  }
0x75: {  	_ =	shalt  }
0x76: {  	_ =	shalt  }
0x77: {  	_ =	shalt  }
0x78: {  	_ =	shalt  }
0x79: {  	_ =	shalt  }
0x7a: {  	_ =	shalt  }
0x7b: {  	_ =	shalt  }
0x7c: {  	_ =	shalt  }
0x7d: {  	_ =	shalt  }
0x7e: {  	_ =	shalt  }
0x7f: {  	_ =	shalt  }
0x80: {  	_ =	shalt  }
0x81: {  	_ =	shalt  }
0x82: {  	_ =	shalt  }
0x83: {  	_ =	shalt  }
0x84: {  	_ =	shalt  }
0x85: {  	_ =	shalt  }
0x86: {  	_ =	shalt  }
0x87: {  	_ =	shalt  }
.Lfunc_end0:
.L_simem_size_0:
called_computation.2_lowered:
.L_overlay_start_0:
0x88: {  	s2 =	sld [smem:$0x3FD9]  }
0x89: {  	s3 =	sld [smem:$0x3FFE];
	_ =	sdelay $0x1  }
0x8a: {  	s1 =	srdreg.scid  }
0x8b: {  	s0 =	sand.u32 $0x1, s1  }
0x8c: {  	s17 =	sshll.u32 s0, $0xA;
	s2 =	sadd.s32 s3, s2  }
0x8d: {  	s2 =	sadd.s32 s2, s17  }
0x8e: {  	[smem:$0x3FBF] =	sst s2  }
0x8f: {  	_ = 	snop  }
0x90: {  	s18 =	sld [smem:$0x3FC7];
	(tm) =	ssettm $0x1  }
0x91: {  	s19 =	sld [smem:$0x3FFB];
	_ =	sdelay $0x3  }
0x92: {  	_ =	strace s19  }
0x93: {  	s2 =	sld [smem:$0x3FFC];
	_ =	sdelay $0x3  }
0x94: {  	_ =	strace s2  }
0x95: {  	s2 =	sld [smem:$0x3FFD];
	_ =	sdelay $0x3  }
0x96: {  	_ =	strace s2  }
0x97: {  	_ =	strace $0x8FFFFFFF  }
0x98: {  	s20 =	sld [smem:$0x3FDB];
	_ =	sdelay $0x1  }
0x99: {  	s4 =	simm.s32 $_scs_section_size  }
0x9a: {  	s5 =	simm.s32 $_size__tile_overlayer_lowered;
	s6 =	simm.s32 $_tile_overlayer_lowered  }
0x9b: {  	s7 =	simm.s32 $0x1BFF;
	s21 =	sshll.u32 s6, $0x1;
	s4 =	sadd.s32 s4, s20  }
0x9c: {  	s22 =	simm.s32 $0x0;
	s5 =	sshll.u32 s5, $0x1;
	s6 =	sadd.s32 s21, s4  }
0x9d: {  	[timem:s22], [sflag:s7] =	dma.local [hbm:s6], s5  }
0x9e: {  	_ =	swait.ge [sflag:s7], s5  }
0x9f: {  	s5 =	ssub.s32 $0x0, s5;
	[sflag:s7] =	ssyncset.done $0x0  }
0xa0: {  	[sflag:s7] =	ssyncadd.s32 s5;
	_ =	sdelay $0x1  }
0xa1: {  	s23 =	simm.s32 $0x1B8B  }
0xa2: {  	_ =	swait.ge [sflag:s23], $0x1  }
0xa3: {  	[sflag:s23] =	ssyncset.done $0x0  }
0xa4: {  	[sflag:s23] =	ssyncadd.s32 $0xFFFFFFFF  }
0xa5: {  	s5 =	sld [smem:$0x0]  }
0xa6: {  	s6 =	sand.u32 $0xFFFFFFFE, s1  }
0xa7: {  	p0 =	sne.s32 s1, s6  }
0xa8: {  	s6 =	sshll.u32 @p0 s6, $0xE  }
0xa9: {  	s6 =	sadd.s32 @p0 $0x11B8D, s6;
	s7 =	sshll.u32 @p0 s5, $0x11  }
0xaa: {  	s6 =	sor.u32 @p0 s7, s6  }
0xab: {  	[sflag:s6] =	ssyncadd.remote.s32 @p0 $0x1;
	_ =	sdelay $0x1  }
0xac: {  	s6 =	simm.s32 @p0 $0x1B8D  }
0xad: {  	_ =	swait.eq @p0 [sflag:s6], $0x1  }
0xae: {  	[sflag:s6] =	ssyncadd.s32 @p0 $0xFFFFFFFF  }
0xaf: {  	s7 =	sshll.u32 @!p0 s1, $0xE  }
0xb0: {  	s7 =	sor.u32 @!p0 $0x4000, s7;
	s6 =	simm.s32 @!p0 $0x1B8D  }
0xb1: {  	s5 =	sshll.u32 @!p0 s5, $0x11;
	s7 =	sadd.s32 @!p0 $0x11B8D, s7;
	_ =	swait.eq @!p0 [sflag:s6], $0x1  }
0xb2: {  	s5 =	sor.u32 @!p0 s5, s7;
	[sflag:s6] =	ssyncadd.s32 @!p0 $0xFFFFFFFF  }
0xb3: {  	s25 =	simm.s32 $0x1B8E;
	s24 =	sld [smem:$0x3FFE];
	[sflag:s5] =	ssyncadd.remote.s32 @!p0 $0x1  }
0xb4: {  	s26 =	simm.s32 $execute0_lowered;
	[smem:$0x3FD2] =	sst s25  }
0xb5: {  	s6 =	sshll.u32 s26, $0x1;
	_ =	strace $0x8000004C;
	[dreg:$0x1] =	wrdreg $0xFFFFFFFF  }
0xb6: {  	s28 =	simm.s32 $_size_execute0_lowered;
	s4 =	sadd.s32 s4, s6;
	[dreg:$0x0] =	wrdreg $0x0  }
0xb7: {  	s6 =	sshll.u32 s28, $0x1;
	[dreg:$0x2] =	wrdreg s4  }
0xb8: {  	[dreg:$0x3] =	wrdreg s6  }
0xb9: {  	[dreg:$0x4] =	wrdreg $0xC0  }
0xba: {  	_ =	task [dreg:s22], $0x5FFFF  }
0xbb: {  	[dreg:$0x1] =	wrdreg $0xFFFFFFFF  }
0xbc: {  	[dreg:$0x0] =	wrdreg $0x60  }
0xbd: {  	[dreg:$0x2] =	wrdreg s18  }
0xbe: {  	[dreg:$0x3] =	wrdreg s24  }
0xbf: {  	[dreg:$0x4] =	wrdreg $0xB  }
0xc0: {  	_ =	task.clear_ibuf [dreg:s22], $0x5FFFF;
	_ =	strace $0x9000004C  }
0xc1: {  	s29 =	simm.s32 $0xB;
	_ =	strace $0x8000004E  }
0xc2: {  	_ =	swait.ge [sflag:s29], $0x1  }
0xc3: {  	[sflag:s29] =	ssyncadd.s32 $0xFFFFFFFF  }
0xc4: {  	_ =	strace $0x9000004E  }
0xc5: {  	_ =	sfence  }
0xc6: {  	s30 =	sld [smem:$0x0];
	_ =	sdelay $0x2  }
0xc7: {  	s31 =	sshll.u32 s1, $0xD;
	s1 =	sshrl.u32 s1, $0x2  }
0xc8: {  	s4 =	sand.u32 $0x4000, s31;
	s1 =	sadd.s32 s1, s30  }
0xc9: {  	s0 =	sor.u32 s4, s0;
	s1 =	sshll.u32 s1, $0x11  }
0xca: {  	s0 =	sor.u32 s1, s0  }
0xcb: {  	s0 =	sadd.s32 $0x8F2B, s0  }
0xcc: {  	[sflag:s0] =	ssyncadd.remote.s32 $0x1  }
0xcd: {  	_ =	sfence.sel $0xFFFF  }
0xce: {  	[dreg:$0x0] =	wrdreg $0xFFFFFFFF;
	(pc) =	sbr.abs _section_cstart, $3  }
0xcf: {  	[dreg:$0x1] =	wrdreg $0xFFFFFFFF  }
0xd0: {  	_ =	task.clear_ibuf [dreg:s22], $0x2FFFF;
	_ =	strace $0x9FFFFFFF  }
0xd1: {  	(tm) =	ssettm $0x7FFFFFFF  }
tec
execute0_lowered:
.L_overlay_start_1:
0x0: {  	(tag) =	ssettag $0x1  }
0x1: {  	s1 =	srdreg.scid;
	s0 =	stileid.u32  }
0x2: {  	s14 =	sand.u32 $0x1, s1;
	s30 =	sshll.u32 s0, $0x1  }
0x3: {  	s11 =	sor.u32 s14, s30  }
0x4: {  	s2 =	rddreg [dreg:$0x0];
	s4 =	smul.u32 $0x300, s11  }
0x5: {  	s10 =	rddreg [dreg:$0x1]  }
0x6: {  	s3 =	simm.s32 $0x0;
	s1 =	rddreg [dreg:$0x2];
	s4 =	sshrl.u32 s4, $0x3  }
0x7: {  	[smem:$0x7FF] =	sst s3;
	s4 =	sadd.s32 s10, s4  }
0x8: {  	_ =	strace $0x8000004D;
	s5 =	sadd.s32 $0x3A00, s4;
	s4 =	simm.s32 $0x3  }
0x9: {  	[tilespmem:s3], [sflag:$0x3] =	stream.linear.gather [hbm4b:s5+s3], $0x300, $0x38;
	[tilespmem:$0x10300] =	vst v63  }
0xa: {  	_ =	swait.ge [sflag:s4], $0x300  }
0xb: {  	[sflag:s4] =	ssyncset.done $0x0  }
0xc: {  	s6 =	simm.s32 $0x100;
	s7 =	simm.s32 $0x300;
	[sflag:s4] =	ssyncadd.s32 $0xFFFFFD00  }
0xd: {  	[tilespmem:s7], [sflag:$0x1] =	stream.indirect.gather [hbm4b:s2+s6], $0x80, s3, s6, $0xb8;
	[tilespmem:$0x10300] =	vst v63  }
0xe: {  	s8 =	simm.s32 $0x8300;
	s9 =	simm.s32 $0x1  }
0xf: {  	[tilespmem:s8], [sflag:$0x2] =	stream.indirect.gather [hbm4b:s2+s6], $0x80, s6, s6, $0xb8;
	[tilespmem:$0x10300] =	vst v63  }
0x10: {  	s12 =	smul.u32 $0x3000, s11;
	_ =	swait.ge [sflag:s9], $0x8000  }
0x11: {  	s13 =	sadd.s32 $0x64600, s10;
	[sflag:s9] =	ssyncset.done $0x0  }
0x12: {  	s10 =	sadd.s32 s13, s12;
	[sflag:s9] =	ssyncadd.s32 $0xFFFF8000  }
0x13: {  	[hbm4b:s10+s3] =	stream.linear.scatter [tilespmem:s7], [sflag:$0x3], $0x8000, $0x38;
	[tilespmem:$0x10300] =	vst v63  }
0x14: {  	_ =	swait.ge [sflag:s4], $0x8000  }
0x15: {  	s15 =	smul.u32 $0x18000, s11;
	[sflag:s4] =	ssyncset.done $0x0  }
0x16: {  	s11 =	simm.s32 $0x200;
	s12 =	simm.s32 $0x2;
	[sflag:s4] =	ssyncadd.s32 $0xFFFF8000  }
0x17: {  	[tilespmem:s7], [sflag:$0x1] =	stream.indirect.gather [hbm4b:s2+s6], $0x80, s11, s6, $0xb8;
	[tilespmem:$0x10300] =	vst v63  }
0x18: {  	s15 =	sshrl.u32 s15, $0x3;
	_ =	swait.ge [sflag:s12], $0x8000  }
0x19: {  	s15 =	sadd.s32 s13, s15;
	[sflag:s12] =	ssyncset.done $0x0  }
0x1a: {  	s14 =	ssub.s32 $0x2, s14;
	s13 =	sadd.s32 $0x1000, s15;
	[sflag:s12] =	ssyncadd.s32 $0xFFFF8000  }
0x1b: {  	[hbm4b:s13+s3] =	stream.linear.scatter [tilespmem:s8], [sflag:$0x3], $0x8000, $0x38;
	[tilespmem:$0x10300] =	vst v63  }
0x1c: {  	s16 =	sshrl.u32 s14, $0x1;
	_ =	swait.ge [sflag:s4], $0x8000  }
0x1d: {  	s16 =	ssub.s32 s14, s16;
	[sflag:s4] =	ssyncset.done $0x0  }
0x1e: {  	s31 =	smax.u32 s16, $0x1;
	[sflag:s4] =	ssyncadd.s32 $0xFFFF8000  }
0x1f: {  	p0 =	sne.s32 s31, $0x1;
	_ =	swait.ge [sflag:s9], $0x8000  }
.Ltmp0:
0x20: {  	[sflag:s9] =	ssyncset.done $0x0;
	(pc) =	sbr.rel @!p0 .LBB2_2-.Ltmp0, $4  }
0x21: {  	s14 =	sadd.s32 $0x2000, s15;
	[sflag:s9] =	ssyncadd.s32 $0xFFFF8000  }
0x22: {  	[hbm4b:s14+s3] =	stream.linear.scatter [tilespmem:s7], [sflag:$0x3], $0x8000, $0x38;
	[tilespmem:$0x10300] =	vst v63  }
0x23: {  	_ =	swait.ge [sflag:s4], $0x8000  }
0x24: {  	s15 =	sadd.s32 $0xFFFFFFFF, s31;
	[sflag:s4] =	ssyncset.done $0x0  }
.LBB2_1:
0x25: {  	p0 =	sne.s32 s15, $0x1;
	s15 =	sadd.s32 $0xFFFFFFFF, s15;
	[sflag:s4] =	ssyncadd.s32 $0xFFFF8000  }
0x26: {  	[tilespmem:s3], [sflag:$0x3] =	stream.linear.gather [hbm4b:s5+s3], $0x300, $0x38;
	[tilespmem:$0x10300] =	vst v63  }
0x27: {  	_ =	swait.ge [sflag:s4], $0x300  }
0x28: {  	[sflag:s4] =	ssyncset.done $0x0  }
0x29: {  	[sflag:s4] =	ssyncadd.s32 $0xFFFFFD00  }
0x2a: {  	[tilespmem:s7], [sflag:$0x1] =	stream.indirect.gather [hbm4b:s2+s6], $0x80, s3, s6, $0xb8;
	[tilespmem:$0x10300] =	vst v63  }
0x2b: {  	_ = 	snop  }
0x2c: {  	[tilespmem:s8], [sflag:$0x2] =	stream.indirect.gather [hbm4b:s2+s6], $0x80, s6, s6, $0xb8;
	[tilespmem:$0x10300] =	vst v63  }
0x2d: {  	_ =	swait.ge [sflag:s9], $0x8000  }
0x2e: {  	[sflag:s9] =	ssyncset.done $0x0  }
0x2f: {  	[sflag:s9] =	ssyncadd.s32 $0xFFFF8000  }
0x30: {  	[hbm4b:s10+s3] =	stream.linear.scatter [tilespmem:s7], [sflag:$0x3], $0x8000, $0x38;
	[tilespmem:$0x10300] =	vst v63  }
0x31: {  	_ =	swait.ge [sflag:s4], $0x8000  }
0x32: {  	[sflag:s4] =	ssyncset.done $0x0  }
0x33: {  	[sflag:s4] =	ssyncadd.s32 $0xFFFF8000  }
0x34: {  	[tilespmem:s7], [sflag:$0x1] =	stream.indirect.gather [hbm4b:s2+s6], $0x80, s11, s6, $0xb8;
	[tilespmem:$0x10300] =	vst v63  }
0x35: {  	_ =	swait.ge [sflag:s12], $0x8000  }
0x36: {  	[sflag:s12] =	ssyncset.done $0x0  }
0x37: {  	[sflag:s12] =	ssyncadd.s32 $0xFFFF8000  }
0x38: {  	[hbm4b:s13+s3] =	stream.linear.scatter [tilespmem:s8], [sflag:$0x3], $0x8000, $0x38;
	[tilespmem:$0x10300] =	vst v63  }
0x39: {  	_ =	swait.ge [sflag:s4], $0x8000  }
0x3a: {  	[sflag:s4] =	ssyncset.done $0x0  }
0x3b: {  	[sflag:s4] =	ssyncadd.s32 $0xFFFF8000  }
0x3c: {  	_ =	swait.ge [sflag:s9], $0x8000  }
.Ltmp1:
0x3d: {  	[sflag:s9] =	ssyncset.done $0x0;
	(pc) =	sbr.rel @p0 .LBB2_1-.Ltmp1, $4  }
0x3e: {  	[sflag:s9] =	ssyncadd.s32 $0xFFFF8000  }
0x3f: {  	[hbm4b:s14+s3] =	stream.linear.scatter [tilespmem:s7], [sflag:$0x3], $0x8000, $0x38;
	[tilespmem:$0x10300] =	vst v63  }
0x40: {  	_ =	swait.ge [sflag:s4], $0x8000  }
0x41: {  	[sflag:s4] =	ssyncset.done $0x0  }
.LBB2_2:
0x42: {  	[sflag:s4] =	ssyncadd.s32 $0xFFFF8000  }
0x43: {  	_ =	sfence.sel $0x180000  }
0x44: {  	[bflag:$0x0] =	sbarrier.arrive $0xFFFF  }
0x45: {  	p0 =	sne.s32 s0, $0x0;
	_ =	strace $0x9000004D  }
0x46: {  	s0 =	sadd.s32 @!p0 $0x100000, s1;
	[bflag:$0x2] =	sbarrier.arrive $0xFFFF  }
0x47: {  	[sflag:s0] =	ssyncadd.tile.s32 @!p0 $0x1;
	_ =	shalt  }
.Lfunc_end2:
_tile_overlayer_lowered:
.L_overlay_start_2:
0x48: {  	(tag) =	ssettag $0x2  }
0x49: {  	s0 =	rddreg [dreg:$0x0];
	s2 =	stileid.u32  }
0x4a: {  	s1 =	rddreg [dreg:$0x1];
	p0 =	sne.s32 s2, $0x0  }
0x4b: {  	s3 =	rddreg [dreg:$0x2];
	[bflag:$0x3] =	sbarrier.arrive $0xFFFF;
	s2 =	simm.s32 @!p0 $0x1C03  }
0x4c: {  	[timem:s3], [sflag:s2] =	dma.local @!p0 [hbm:s0], s1  }
0x4d: {  	s0 =	simm.s32 @!p0 $0x3  }
0x4e: {  	_ =	swait.ge @!p0 [sflag:s0], s1  }
0x4f: {  	s1 =	ssub.s32 @!p0 $0x0, s1;
	[sflag:s0] =	ssyncset.done @!p0 $0x0  }
0x50: {  	[sflag:s0] =	ssyncadd.s32 @!p0 s1  }
0x51: {  	[bflag:$0x3] =	sbarrier.arrive $0xFFFF  }
0x52: {  	_ =	shalt  }

// kernel: kernel.8.cloned.1.call-start
scs
__scs_entry_jumppad:
0x0: {  	(pc) =	sbr.rel $0x88, $3  }
0x1: {  	(tag) =	ssettag $0x0;
	lr =	simm.s32 $0x1  }
0x2: {  	[smem:$0x3F98] =	sst lr;
	_ =	strace $0xD0000000  }
0x3: {  	_ = 	snop  }
0x4: {  	_ = 	snop  }
0x5: {  	_ = 	snop  }
0x6: {  	_ = 	snop  }
0x7: {  	_ = 	snop  }
__scs_overlays_trampoline_lowered:
0x8: {  	[smem:$0x3FA7] =	sst s0  }
0x9: {  	[smem:$0x3FA8] =	sst s1  }
0xa: {  	[smem:$0x3FA9] =	sst s2  }
0xb: {  	[smem:$0x3FAA] =	sst s3  }
0xc: {  	[smem:$0x3FAB] =	sst s4  }
0xd: {  	[smem:$0x3FAC] =	sst s5  }
0xe: {  	[smem:$0x3FAD] =	sst s6  }
0xf: {  	[smem:$0x3FAE] =	sst s7  }
0x10: {  	[smem:$0x3FAF] =	sst s8  }
0x11: {  	[smem:$0x3FB0] =	sst s9;
	s0 =	simm.s32 @!p0 $0x0  }
0x12: {  	s1 =	sld [smem:$0x3F96];
	s0 =	simm.s32 @p0 $0x1  }
0x13: {  	[smem:$0x3FB1] =	sst s0;
	s0 =	simm.s32 @!p1 $0x0  }
0x14: {  	s2 =	sld [smem:$0x3F95];
	s0 =	simm.s32 @p1 $0x1  }
0x15: {  	[smem:$0x3FB2] =	sst s0;
	s0 =	simm.s32 @!p2 $0x0  }
0x16: {  	s3 =	sld [smem:$0x3FDB];
	s0 =	simm.s32 @p2 $0x1  }
0x17: {  	s4 =	simm.s32 $0x1BF5;
	[smem:$0x3FB4] =	sst s0  }
0x18: {  	s0 =	sld [smem:$0x3F97];
	_ =	swait.ge [sflag:s4], $0x0  }
0x19: {  	s7 =	sld [smem:$0x3F98]  }
0x1a: {  	s8 =	sadd.s32 $0xFFFFE003, lr  }
0x1b: {  	s9 =	sadd.s32 $0xFFFFFEF7, lr;
	s5 =	simm.s32 $0xFFFFFFFF;
	p2 =	slt.u32 s8, $0xFFFFF086  }
0x1c: {  	p1 =	slt.u32 s9, $0xF7A;
	s5 =	simm.s32 @!p2 $0x0  }
0x1d: {  	s5 =	simm.s32 @p1 $0x1;
	p0 =	seq.s32 s7, s2  }
0x1e: {  	s7 =	smul.u32 @!p0 $0xF7A, s2;
	p2 =	seq.s32 @!p0 s5, $0x0  }
0x1f: {  	s9 =	smul.u32 $0xF7A, s1;
	s8 =	simm.s32 @!p0 $0x1BF5;
	p2 =	por !p2, p0  }
0x20: {  	[sflag:s8] =	ssyncset.s32 @!p0 $0xFFFFF086;
	s6 =	sadd.s32 @!p0 s3, s7;
	s7 =	simm.s32 @!p0 $0x108  }
0x21: {  	s3 =	sadd.s32 s3, s9;
	s6 =	sadd.s32 @!p0 $0x88, s6;
	s7 =	simm.s32 @p2 $0x1082  }
0x22: {  	[simem:s7], [sflag:s8] =	dma.local @!p0 [hbm:s6], $0xF7A  }
0x23: {  	s9 =	sor.u32 $0xD0000000, s2;
	s6 =	simm.s32 $0x108;
	_ =	swait.ge @!p0 [sflag:s8], $0x0  }
0x24: {  	s3 =	sadd.s32 $0x88, s3;
	s6 =	simm.s32 @!p1 $0x1082;
	[sflag:s4] =	ssyncset.s32 $0xFFFFF086  }
0x25: {  	[simem:s6], [sflag:s4] =	dma.local [hbm:s3], $0xF7A  }
0x26: {  	[smem:$0x3F98] =	sst s1;
	(tag) =	ssettag s2;
	_ =	strace s9  }
0x27: {  	s1 =	sld [smem:$0x3FA8]  }
0x28: {  	s2 =	sld [smem:$0x3FA9]  }
0x29: {  	s4 =	sld [smem:$0x3FAB]  }
0x2a: {  	p0 =	seq.s32 s5, $0x0;
	s5 =	sld [smem:$0x3FAC]  }
0x2b: {  	s6 =	sld [smem:$0x3FAD]  }
0x2c: {  	s7 =	sld [smem:$0x3FAE]  }
0x2d: {  	s3 =	simm.s32 $0x108;
	s8 =	sld [smem:$0x3FAF]  }
0x2e: {  	s3 =	simm.s32 @!p0 $0x1082;
	s9 =	sld [smem:$0x3FB0]  }
0x2f: {  	lr =	sadd.s32 s0, s3;
	s0 =	sld [smem:$0x3FA7]  }
0x30: {  	s3 =	sld [smem:$0x3FAA]  }
0x31: {  	[smem:$0x3FB3] =	sst s10  }
0x32: {  	s10 =	sld [smem:$0x3FB1];
	_ =	sdelay $0x3  }
0x33: {  	p0 =	seq.s32 s10, $0x1;
	s10 =	sld [smem:$0x3FB3];
	_ =	sdelay $0x3  }
0x34: {  	[smem:$0x3FB3] =	sst s10  }
0x35: {  	s10 =	sld [smem:$0x3FB2];
	_ =	sdelay $0x3  }
0x36: {  	p1 =	seq.s32 s10, $0x1;
	s10 =	sld [smem:$0x3FB3];
	_ =	sdelay $0x3  }
0x37: {  	[smem:$0x3FB3] =	sst s10  }
0x38: {  	s10 =	sld [smem:$0x3FB4]  }
0x39: {  	_ = 	snop;
	(pc) =	sbr.ind lr, $3  }
0x3a: {  	_ = 	snop  }
0x3b: {  	_ = 	snop  }
0x3c: {  	p2 =	seq.s32 s10, $0x1;
	s10 =	sld [smem:$0x3FB3]  }
0x3d: {  	_ =	shalt  }
0x3e: {  	_ =	shalt  }
0x3f: {  	_ =	shalt  }
0x40: {  	_ =	shalt  }
0x41: {  	_ =	shalt  }
0x42: {  	_ =	shalt  }
0x43: {  	_ =	shalt  }
0x44: {  	_ =	shalt  }
0x45: {  	_ =	shalt  }
0x46: {  	_ =	shalt  }
0x47: {  	_ =	shalt  }
0x48: {  	_ =	shalt  }
0x49: {  	_ =	shalt  }
0x4a: {  	_ =	shalt  }
0x4b: {  	_ =	shalt  }
0x4c: {  	_ =	shalt  }
0x4d: {  	_ =	shalt  }
0x4e: {  	_ =	shalt  }
0x4f: {  	_ =	shalt  }
0x50: {  	_ =	shalt  }
0x51: {  	_ =	shalt  }
0x52: {  	_ =	shalt  }
0x53: {  	_ =	shalt  }
0x54: {  	_ =	shalt  }
0x55: {  	_ =	shalt  }
0x56: {  	_ =	shalt  }
0x57: {  	_ =	shalt  }
0x58: {  	_ =	shalt  }
0x59: {  	_ =	shalt  }
0x5a: {  	_ =	shalt  }
0x5b: {  	_ =	shalt  }
0x5c: {  	_ =	shalt  }
0x5d: {  	_ =	shalt  }
0x5e: {  	_ =	shalt  }
0x5f: {  	_ =	shalt  }
0x60: {  	_ =	shalt  }
0x61: {  	_ =	shalt  }
0x62: {  	_ =	shalt  }
0x63: {  	_ =	shalt  }
0x64: {  	_ =	shalt  }
0x65: {  	_ =	shalt  }
0x66: {  	_ =	shalt  }
0x67: {  	_ =	shalt  }
0x68: {  	_ =	shalt  }
0x69: {  	_ =	shalt  }
0x6a: {  	_ =	shalt  }
0x6b: {  	_ =	shalt  }
0x6c: {  	_ =	shalt  }
0x6d: {  	_ =	shalt  }
0x6e: {  	_ =	shalt  }
0x6f: {  	_ =	shalt  }
0x70: {  	_ =	shalt  }
0x71: {  	_ =	shalt  }
0x72: {  	_ =	shalt  }
0x73: {  	_ =	shalt  }
0x74: {  	_ =	shalt  }
0x75: {  	_ =	shalt  }
0x76: {  	_ =	shalt  }
0x77: {  	_ =	shalt  }
0x78: {  	_ =	shalt  }
0x79: {  	_ =	shalt  }
0x7a: {  	_ =	shalt  }
0x7b: {  	_ =	shalt  }
0x7c: {  	_ =	shalt  }
0x7d: {  	_ =	shalt  }
0x7e: {  	_ =	shalt  }
0x7f: {  	_ =	shalt  }
0x80: {  	_ =	shalt  }
0x81: {  	_ =	shalt  }
0x82: {  	_ =	shalt  }
0x83: {  	_ =	shalt  }
0x84: {  	_ =	shalt  }
0x85: {  	_ =	shalt  }
0x86: {  	_ =	shalt  }
0x87: {  	_ =	shalt  }
.Lfunc_end0:
.L_simem_size_0:
called_computation_lowered:
.L_overlay_start_0:
0x88: {  	s2 =	sld [smem:$0x3FD9]  }
0x89: {  	s3 =	sld [smem:$0x3FFE];
	_ =	sdelay $0x1  }
0x8a: {  	s1 =	srdreg.scid  }
0x8b: {  	s0 =	sand.u32 $0x1, s1  }
0x8c: {  	s17 =	sshll.u32 s0, $0xA;
	s2 =	sadd.s32 s3, s2  }
0x8d: {  	s2 =	sadd.s32 s2, s17  }
0x8e: {  	[smem:$0x3FBF] =	sst s2  }
0x8f: {  	_ = 	snop  }
0x90: {  	s2 =	sld [smem:$0x3FC7]  }
0x91: {  	s18 =	sld [smem:$0x3FD0];
	(tm) =	ssettm $0x1  }
0x92: {  	s4 =	sld [smem:$0x3FFB];
	_ =	sdelay $0x3  }
0x93: {  	_ =	strace s4  }
0x94: {  	s4 =	sld [smem:$0x3FFC];
	_ =	sdelay $0x3  }
0x95: {  	_ =	strace s4  }
0x96: {  	s4 =	sld [smem:$0x3FFD];
	_ =	sdelay $0x3  }
0x97: {  	_ =	strace s4  }
0x98: {  	_ =	strace $0x8FFFFFFF  }
0x99: {  	s19 =	sld [smem:$0x3FDB];
	_ =	sdelay $0x1  }
0x9a: {  	s5 =	simm.s32 $_scs_section_size  }
0x9b: {  	s6 =	simm.s32 $_size__tile_overlayer_lowered;
	s7 =	simm.s32 $_tile_overlayer_lowered  }
0x9c: {  	s22 =	simm.s32 $0x1BFF;
	s21 =	sshll.u32 s7, $0x1;
	s4 =	sadd.s32 s5, s19  }
0x9d: {  	s8 =	simm.s32 $0x0;
	s20 =	sshll.u32 s6, $0x1;
	s6 =	sadd.s32 s21, s4  }
0x9e: {  	[timem:s8], [sflag:s22] =	dma.local [hbm:s6], s20  }
0x9f: {  	_ =	swait.ge [sflag:s22], s20  }
0xa0: {  	s5 =	ssub.s32 $0x0, s20;
	[sflag:s22] =	ssyncset.done $0x0  }
0xa1: {  	[sflag:s22] =	ssyncadd.s32 s5;
	_ =	sdelay $0x1  }
0xa2: {  	s23 =	simm.s32 $0x1B8B  }
0xa3: {  	_ =	swait.ge [sflag:s23], $0x1  }
0xa4: {  	[sflag:s23] =	ssyncset.done $0x0  }
0xa5: {  	s25 =	simm.s32 $0x1B8E;
	s24 =	sld [smem:$0x3FFE];
	[sflag:s23] =	ssyncadd.s32 $0xFFFFFFFF  }
0xa6: {  	s26 =	simm.s32 $execute0_lowered;
	[smem:$0x3FD2] =	sst s25  }
0xa7: {  	s6 =	sshll.u32 s26, $0x1;
	_ =	strace $0x80000046;
	[dreg:$0x1] =	wrdreg $0xFFFFFFFF  }
0xa8: {  	s28 =	simm.s32 $_size_execute0_lowered;
	s4 =	sadd.s32 s4, s6;
	[dreg:$0x0] =	wrdreg $0x0  }
0xa9: {  	s6 =	sshll.u32 s28, $0x1;
	[dreg:$0x2] =	wrdreg s4  }
0xaa: {  	[dreg:$0x3] =	wrdreg s6  }
0xab: {  	[dreg:$0x4] =	wrdreg $0xC0  }
0xac: {  	_ =	task [dreg:s8], $0x5FFFF  }
0xad: {  	[dreg:$0x1] =	wrdreg $0xFFFFFFFF  }
0xae: {  	[dreg:$0x0] =	wrdreg $0x60  }
0xaf: {  	[dreg:$0x2] =	wrdreg s2  }
0xb0: {  	[dreg:$0x3] =	wrdreg s24  }
0xb1: {  	[dreg:$0x4] =	wrdreg s18  }
0xb2: {  	[dreg:$0x5] =	wrdreg $0x9  }
0xb3: {  	_ =	task.clear_ibuf [dreg:s8], $0x6FFFF;
	_ =	strace $0x90000046  }
0xb4: {  	s29 =	simm.s32 $0x9;
	_ =	strace $0x80000048  }
0xb5: {  	_ =	swait.ge [sflag:s29], $0x1  }
0xb6: {  	[sflag:s29] =	ssyncadd.s32 $0xFFFFFFFF  }
0xb7: {  	_ =	strace $0x90000048  }
0xb8: {  	_ =	sfence  }
0xb9: {  	s30 =	sld [smem:$0x0];
	_ =	sdelay $0x2  }
0xba: {  	s31 =	sshll.u32 s1, $0xD;
	s1 =	sshrl.u32 s1, $0x2  }
0xbb: {  	s3 =	sand.u32 $0x4000, s31;
	s1 =	sadd.s32 s1, s30  }
0xbc: {  	s0 =	sor.u32 s3, s0;
	s1 =	sshll.u32 s1, $0x11  }
0xbd: {  	s0 =	sor.u32 s1, s0  }
0xbe: {  	s0 =	sadd.s32 $0x8F2B, s0  }
0xbf: {  	[sflag:s0] =	ssyncadd.remote.s32 $0x1  }
0xc0: {  	_ =	sfence.sel $0xFFFF  }
0xc1: {  	[dreg:$0x0] =	wrdreg $0xFFFFFFFF;
	(pc) =	sbr.abs _section_cstart, $3  }
0xc2: {  	[dreg:$0x1] =	wrdreg $0xFFFFFFFF  }
0xc3: {  	_ =	task.clear_ibuf [dreg:s8], $0x2FFFF;
	_ =	strace $0x9FFFFFFF  }
0xc4: {  	(tm) =	ssettm $0x7FFFFFFF  }
0xc5: {  	_ =	shalt  }
tec
execute0_lowered:
.L_overlay_start_1:
0x0: {  	(tag) =	ssettag $0x1  }
0x1: {  	s2 =	srdreg.scid  }
0x2: {  	s1 =	rddreg [dreg:$0x0];
	s0 =	stileid.u32;
	s11 =	sand.u32 $0x1, s2  }
0x3: {  	s4 =	rddreg [dreg:$0x1];
	s30 =	sshll.u32 s0, $0xA;
	s3 =	sshll.u32 s11, $0x9  }
0x4: {  	s10 =	rddreg [dreg:$0x2];
	s12 =	sor.u32 s3, s30  }
0x5: {  	s2 =	rddreg [dreg:$0x3];
	s3 =	simm.s32 $0x0;
	s5 =	sshrl.u32 s12, $0x3  }
0x6: {  	[smem:$0x7FF] =	sst s3;
	s4 =	sadd.s32 s5, s4  }
0x7: {  	_ =	strace $0x80000047;
	s5 =	sadd.s32 $0x2600, s4;
	s4 =	simm.s32 $0x3  }
0x8: {  	[tilespmem:s3], [sflag:$0x3] =	stream.linear.gather [hbm4b:s5+s3], $0x200, $0x38;
	[tilespmem:$0x10200] =	vst v63  }
0x9: {  	_ =	swait.ge [sflag:s4], $0x200  }
0xa: {  	[sflag:s4] =	ssyncset.done $0x0  }
0xb: {  	s6 =	simm.s32 $0x100;
	s7 =	simm.s32 $0x200;
	[sflag:s4] =	ssyncadd.s32 $0xFFFFFE00  }
0xc: {  	[tilespmem:s7], [sflag:$0x1] =	stream.indirect.gather [hbm4b:s1+s6], $0x80, s3, s6, $0xb8;
	[tilespmem:$0x10200] =	vst v63  }
0xd: {  	s8 =	simm.s32 $0x8200;
	s9 =	simm.s32 $0x1  }
0xe: {  	[tilespmem:s8], [sflag:$0x2] =	stream.indirect.gather [hbm4b:s1+s6], $0x80, s6, s6, $0xb8;
	[tilespmem:$0x10200] =	vst v63  }
0xf: {  	_ =	swait.ge [sflag:s9], $0x8000  }
0x10: {  	s12 =	sshll.u32 s12, $0x4;
	[sflag:s9] =	ssyncset.done $0x0  }
0x11: {  	s31 =	ssub.s32 $0x2, s11;
	s10 =	sadd.s32 s10, s12;
	[sflag:s9] =	ssyncadd.s32 $0xFFFF8000  }
0x12: {  	[hbm4b:s10+s3] =	stream.linear.scatter [tilespmem:s7], [sflag:$0x3], $0x8000, $0x38;
	[tilespmem:$0x10200] =	vst v63  }
0x13: {  	s13 =	sshrl.u32 s31, $0x1;
	_ =	swait.ge [sflag:s4], $0x8000  }
0x14: {  	s13 =	ssub.s32 s31, s13;
	[sflag:s4] =	ssyncset.done $0x0  }
0x15: {  	s11 =	simm.s32 $0x2;
	s13 =	smax.u32 s13, $0x1;
	[sflag:s4] =	ssyncadd.s32 $0xFFFF8000  }
0x16: {  	p0 =	sne.s32 s13, $0x1;
	_ =	swait.ge [sflag:s11], $0x8000  }
.Ltmp0:
0x17: {  	[sflag:s11] =	ssyncset.done $0x0;
	(pc) =	sbr.rel @!p0 .LBB2_2-.Ltmp0, $4  }
0x18: {  	s12 =	sadd.s32 $0x1000, s10;
	[sflag:s11] =	ssyncadd.s32 $0xFFFF8000  }
0x19: {  	[hbm4b:s12+s3] =	stream.linear.scatter [tilespmem:s8], [sflag:$0x3], $0x8000, $0x38;
	[tilespmem:$0x10200] =	vst v63  }
0x1a: {  	_ =	swait.ge [sflag:s4], $0x8000  }
0x1b: {  	s13 =	sadd.s32 $0xFFFFFFFF, s13;
	[sflag:s4] =	ssyncset.done $0x0  }
.LBB2_1:
0x1c: {  	p0 =	sne.s32 s13, $0x1;
	s13 =	sadd.s32 $0xFFFFFFFF, s13;
	[sflag:s4] =	ssyncadd.s32 $0xFFFF8000  }
0x1d: {  	[tilespmem:s3], [sflag:$0x3] =	stream.linear.gather [hbm4b:s5+s3], $0x200, $0x38;
	[tilespmem:$0x10200] =	vst v63  }
0x1e: {  	_ =	swait.ge [sflag:s4], $0x200  }
0x1f: {  	[sflag:s4] =	ssyncset.done $0x0  }
0x20: {  	[sflag:s4] =	ssyncadd.s32 $0xFFFFFE00  }
0x21: {  	[tilespmem:s7], [sflag:$0x1] =	stream.indirect.gather [hbm4b:s1+s6], $0x80, s3, s6, $0xb8;
	[tilespmem:$0x10200] =	vst v63  }
0x22: {  	_ = 	snop  }
0x23: {  	[tilespmem:s8], [sflag:$0x2] =	stream.indirect.gather [hbm4b:s1+s6], $0x80, s6, s6, $0xb8;
	[tilespmem:$0x10200] =	vst v63  }
0x24: {  	_ =	swait.ge [sflag:s9], $0x8000  }
0x25: {  	[sflag:s9] =	ssyncset.done $0x0  }
0x26: {  	[sflag:s9] =	ssyncadd.s32 $0xFFFF8000  }
0x27: {  	[hbm4b:s10+s3] =	stream.linear.scatter [tilespmem:s7], [sflag:$0x3], $0x8000, $0x38;
	[tilespmem:$0x10200] =	vst v63  }
0x28: {  	_ =	swait.ge [sflag:s4], $0x8000  }
0x29: {  	[sflag:s4] =	ssyncset.done $0x0  }
0x2a: {  	[sflag:s4] =	ssyncadd.s32 $0xFFFF8000  }
0x2b: {  	_ =	swait.ge [sflag:s11], $0x8000  }
.Ltmp1:
0x2c: {  	[sflag:s11] =	ssyncset.done $0x0;
	(pc) =	sbr.rel @p0 .LBB2_1-.Ltmp1, $4  }
0x2d: {  	[sflag:s11] =	ssyncadd.s32 $0xFFFF8000  }
0x2e: {  	[hbm4b:s12+s3] =	stream.linear.scatter [tilespmem:s8], [sflag:$0x3], $0x8000, $0x38;
	[tilespmem:$0x10200] =	vst v63  }
0x2f: {  	_ =	swait.ge [sflag:s4], $0x8000  }
0x30: {  	[sflag:s4] =	ssyncset.done $0x0  }
.LBB2_2:
0x31: {  	[sflag:s4] =	ssyncadd.s32 $0xFFFF8000  }
0x32: {  	_ =	sfence.sel $0x180000  }
0x33: {  	[bflag:$0x0] =	sbarrier.arrive $0xFFFF  }
0x34: {  	p0 =	sne.s32 s0, $0x0;
	_ =	strace $0x90000047  }
0x35: {  	s0 =	sadd.s32 @!p0 $0x100000, s2;
	[bflag:$0x2] =	sbarrier.arrive $0xFFFF  }
0x36: {  	[sflag:s0] =	ssyncadd.tile.s32 @!p0 $0x1;
	_ =	shalt  }
.Lfunc_end2:
_tile_overlayer_lowered:
.L_overlay_start_2:
0x37: {  	(tag) =	ssettag $0x2  }
0x38: {  	s0 =	rddreg [dreg:$0x0];
	s2 =	stileid.u32  }
0x39: {  	s1 =	rddreg [dreg:$0x1];
	p0 =	sne.s32 s2, $0x0  }
0x3a: {  	s3 =	rddreg [dreg:$0x2];
	[bflag:$0x3] =	sbarrier.arrive $0xFFFF;
	s2 =	simm.s32 @!p0 $0x1C03  }
0x3b: {  	[timem:s3], [sflag:s2] =	dma.local @!p0 [hbm:s0], s1  }
0x3c: {  	s0 =	simm.s32 @!p0 $0x3  }
0x3d: {  	_ =	swait.ge @!p0 [sflag:s0], s1  }
0x3e: {  	s1 =	ssub.s32 @!p0 $0x0, s1;
	[sflag:s0] =	ssyncset.done @!p0 $0x0  }
0x3f: {  	[sflag:s0] =	ssyncadd.s32 @!p0 s1  }
0x40: {  	[bflag:$0x3] =	sbarrier.arrive $0xFFFF  }
0x41: {  	_ =	shalt  }

</sc_bundles>
